<compile_context>
chip_gen: v7x
topology: tpu7x:2x2x1
jax: 0.10.2.dev20260603
libtpu: 0.0.44.dev20260713+nightly
codegen_flags: <defaults>
</compile_context>

<pallas_src>
import jax
import jax.numpy as jnp
from jax import lax
from jax.experimental import pallas as pl
from jax.experimental.pallas import tpu as pltpu
from jax.experimental.pallas import tpu_sc as plsc

N = 10000
D = 128
E = 320000
NC = 2
NS = 16
NW = NC * NS
AR = 10112
EPW = E // NW
K = 176
CHP = 58
EPTP = CHP * K
ZR = AR // NS
CPT = 624
CREM = N - CPT * NS


def _make_sc_aggregate(compute_cnt, K=K, CHP=CHP, AR=AR):
    ZR = AR // NS
    """SparseCore segment-sum kernel.

    Inputs:  x [N, D] f32 (HBM), ei [2*E] i32 (src then dst, flattened).
    Outputs: agg [NC, N, D] f32 (two partial sums)
             and, if compute_cnt, cnt [NC, AR] f32 (first N cols valid).
    """
    mesh = plsc.VectorSubcoreMesh(core_axis_name="c", subcore_axis_name="s",
                                  num_cores=NC, num_subcores=NS)
    out_type = [jax.ShapeDtypeStruct((NC, N, D), jnp.float32)]
    scratch = [
        pltpu.VMEM((K,), jnp.int32),
        pltpu.VMEM((K,), jnp.int32),
        pltpu.VMEM((K,), jnp.int32),
        pltpu.VMEM((K,), jnp.int32),
        pltpu.VMEM((K,), jnp.int32),
        pltpu.VMEM((K,), jnp.int32),
        pltpu.VMEM((K, D), jnp.float32),
        pltpu.VMEM((K, D), jnp.float32),
        pltpu.VMEM_SHARED((AR, D), jnp.float32),
        pltpu.SemaphoreType.DMA,
        pltpu.SemaphoreType.DMA,
        pltpu.SemaphoreType.DMA,
        pltpu.SemaphoreType.DMA,
        pltpu.SemaphoreType.DMA,
        pltpu.SemaphoreType.DMA,
    ]
    if compute_cnt:
        out_type.append(jax.ShapeDtypeStruct((NC, AR), jnp.float32))
        scratch += [
            pltpu.VMEM((K,), jnp.float32),
            pltpu.VMEM((640,), jnp.float32),
            pltpu.VMEM_SHARED((AR,), jnp.float32),
        ]

    def body(x_hbm, ei_hbm, *refs):
        if compute_cnt:
            (agg_out, cnt_out, sidx_raw0, sidx_raw1, didx_raw0, didx_raw1,
             didx_adj0, didx_adj1, rows0, rows1, agg_sh,
             isem0, isem1, gsem0, gsem1, ssem0, ssem1,
             ones_v, zc_v, cnt_sh) = refs
        else:
            (agg_out, sidx_raw0, sidx_raw1, didx_raw0, didx_raw1,
             didx_adj0, didx_adj1, rows0, rows1, agg_sh,
             isem0, isem1, gsem0, gsem1, ssem0, ssem1) = refs
        c = lax.axis_index("c")
        s = lax.axis_index("s")
        w = s * NC + c
        sidx_raw = (sidx_raw0, sidx_raw1)
        didx_raw = (didx_raw0, didx_raw1)
        didx_adj = (didx_adj0, didx_adj1)
        rows = (rows0, rows1)
        isem = (isem0, isem1)
        gsem = (gsem0, gsem1)
        ssem = (ssem0, ssem1)

        def ebase(g):
            start = w * EPW + g * K
            return pl.multiple_of(jnp.minimum(start, E - K), 8)

        def fire_idx(g, b):
            pltpu.async_copy(ei_hbm.at[pl.ds(ebase(g), K)], sidx_raw[b],
                             isem[b])
            pltpu.async_copy(ei_hbm.at[pl.ds(E + ebase(g), K)],
                             didx_raw[b], isem[b])

        def wait_idx(g, b):
            pltpu.make_async_copy(ei_hbm.at[pl.ds(ebase(g), K)],
                                  sidx_raw[b], isem[b]).wait()
            pltpu.make_async_copy(ei_hbm.at[pl.ds(E + ebase(g), K)],
                                  didx_raw[b], isem[b]).wait()

        pad16 = N + lax.iota(jnp.int32, 16)
        iota16 = lax.iota(jnp.int32, 16)

        def adjust(g, b):
            start = w * EPW + g * K
            delta = start - jnp.minimum(start, E - K)

            def f(j, carry):
                d = didx_raw[b][pl.ds(j * 16, 16)]
                lane = j * 16 + iota16
                ok = (lane >= delta) & (lane + (g * K - delta) < EPW)
                didx_adj[b][pl.ds(j * 16, 16)] = jnp.where(ok, d, pad16)
                return carry

            lax.fori_loop(0, K // 16, f, 0)

        def fire_gather(b):
            pltpu.async_copy(x_hbm.at[sidx_raw[b]], rows[b], gsem[b])

        def wait_gather(b):
            pltpu.make_async_copy(x_hbm.at[sidx_raw[b]], rows[b],
                                  gsem[b]).wait()

        def fire_scatter(b):
            pltpu.async_copy(rows[b], agg_sh.at[didx_adj[b]], ssem[b],
                             add=True)
            if compute_cnt:
                pltpu.async_copy(ones_v, cnt_sh.at[didx_adj[b]], ssem[b],
                                 add=True)

        def wait_scatter(b):
            pltpu.make_async_copy(rows[b], agg_sh.at[didx_adj[b]],
                                  ssem[b]).wait()
            if compute_cnt:
                pltpu.make_async_copy(ones_v, cnt_sh.at[didx_adj[b]],
                                      ssem[b]).wait()

        fire_idx(0, 0)
        fire_idx(1, 1)

        zero16 = jnp.zeros((16,), jnp.float32)

        def zrow(r, carry):
            for j in range(D // 16):
                rows0[r, pl.ds(j * 16, 16)] = zero16
            return carry

        lax.fori_loop(0, K, zrow, 0)
        zrow0 = pl.multiple_of(s * ZR, 8 if ZR % 8 == 0 else 2)
        for t in range(3):
            pltpu.sync_copy(rows0, agg_sh.at[pl.ds(zrow0 + t * K, K)])
        pltpu.sync_copy(rows0.at[pl.ds(0, ZR - 3 * K)],
                        agg_sh.at[pl.ds(zrow0 + 3 * K, ZR - 3 * K)])

        if compute_cnt:
            one16 = jnp.ones((16,), jnp.float32)

            def fill_ones(r, carry):
                ones_v[pl.ds(r * 16, 16)] = one16
                return carry

            lax.fori_loop(0, K // 16, fill_ones, 0)

            def zc(r, carry):
                zc_v[pl.ds(r * 16, 16)] = zero16
                return carry

            lax.fori_loop(0, 640 // 16, zc, 0)
            pltpu.sync_copy(zc_v.at[pl.ds(0, ZR)],
                            cnt_sh.at[pl.ds(zrow0, ZR)])

        plsc.subcore_barrier()

        wait_idx(0, 0)
        adjust(0, 0)
        fire_gather(0)

        def step(i, carry):
            g0 = 2 * i
            g1 = 2 * i + 1
            wait_idx(g1, 1)

            @pl.when(i > 0)
            def _():
                wait_scatter(1)

            adjust(g1, 1)
            wait_gather(0)
            fire_gather(1)

            @pl.when(g0 + 2 < CHP)
            def _():
                fire_idx(g0 + 2, 0)

            fire_scatter(0)
            wait_gather(1)
            fire_scatter(1)
            wait_scatter(0)

            @pl.when(g0 + 2 < CHP)
            def _():
                wait_idx(g0 + 2, 0)
                adjust(g0 + 2, 0)
                fire_gather(0)

            @pl.when(g1 + 2 < CHP)
            def _():
                fire_idx(g1 + 2, 1)

            return carry

        lax.fori_loop(0, CHP // 2, step, 0)
        wait_scatter(1)
        plsc.subcore_barrier()

        crow0 = pl.multiple_of(s * CPT, 8)
        pltpu.sync_copy(agg_sh.at[pl.ds(crow0, CPT)],
                        agg_out.at[c, pl.ds(crow0, CPT)])

        @pl.when(s == 0)
        def _():
            pltpu.sync_copy(agg_sh.at[pl.ds(CPT * NS, CREM)],
                            agg_out.at[c, pl.ds(CPT * NS, CREM)])
            if compute_cnt:
                pltpu.sync_copy(cnt_sh, cnt_out.at[c])

    return pl.kernel(body, out_type=tuple(out_type), mesh=mesh,
                     scratch_types=tuple(scratch))


_sc_agg_cnt = _make_sc_aggregate(compute_cnt=True)
_sc_agg = _make_sc_aggregate(compute_cnt=False)

_TC_R = 2000


def _tc_root(x, wr, b):
    def body(x_ref, wr_ref, b_ref, o_ref):
        o_ref[...] = jax.lax.dot_general(
            x_ref[...], wr_ref[...], (((1,), (0,)), ((), ())),
            precision=jax.lax.Precision.HIGHEST,
            preferred_element_type=jnp.float32) + b_ref[...]

    return pl.pallas_call(
        body,
        grid=(N // _TC_R,),
        in_specs=[
            pl.BlockSpec((_TC_R, D), lambda i: (i, 0)),
            pl.BlockSpec((D, D), lambda i: (0, 0)),
            pl.BlockSpec((1, D), lambda i: (0, 0)),
        ],
        out_specs=pl.BlockSpec((_TC_R, D), lambda i: (i, 0)),
        out_shape=jax.ShapeDtypeStruct((N, D), jnp.float32),
    )(x, wr, b)


def _make_tc_combine(relu):
    def body(a0_ref, a1_ref, cnt_ref, xr_ref, wl_ref, o_ref):
        agg = (a0_ref[...] + a1_ref[...]) / jnp.maximum(cnt_ref[...], 1.0)
        acc = jax.lax.dot_general(
            agg, wl_ref[...], (((1,), (0,)), ((), ())),
            precision=jax.lax.Precision.HIGHEST,
            preferred_element_type=jnp.float32)
        acc = acc + xr_ref[...]
        if relu:
            acc = jnp.maximum(acc, 0.0)
        o_ref[...] = acc

    return pl.pallas_call(
        body,
        grid=(N // _TC_R,),
        in_specs=[
            pl.BlockSpec((_TC_R, D), lambda i: (i, 0)),
            pl.BlockSpec((_TC_R, D), lambda i: (i, 0)),
            pl.BlockSpec((_TC_R, 1), lambda i: (i, 0)),
            pl.BlockSpec((_TC_R, D), lambda i: (i, 0)),
            pl.BlockSpec((D, D), lambda i: (0, 0)),
        ],
        out_specs=pl.BlockSpec((_TC_R, D), lambda i: (i, 0)),
        out_shape=jax.ShapeDtypeStruct((N, D), jnp.float32),
    )


_tc_relu = _make_tc_combine(relu=True)
_tc_plain = _make_tc_combine(relu=False)


def kernel(x, edge_index, W1l, W1r, b1, W2l, W2r, b2):
    ei = edge_index.astype(jnp.int32).reshape(2 * E)
    agg1, cnt_p = _sc_agg_cnt(x, ei)
    xr1 = _tc_root(x, W1r, b1.reshape(1, D))
    cnt = (cnt_p[0, :N] + cnt_p[1, :N]).reshape(N, 1)
    h = _tc_relu(agg1[0], agg1[1], cnt, xr1, W1l)
    (agg2,) = _sc_agg(h, ei)
    xr2 = _tc_root(h, W2r, b2.reshape(1, D))
    out = _tc_plain(agg2[0], agg2[1], cnt, xr2, W2l)
    return out

# --- scband reference (transcript-rebuilt; emitter-appended) ---
"""Pipeline reference for scband-gnnencoder-1906965479432 (READ-ONLY COPY).

The authoritative reference and input builder live on the scoring server;
editing this copy changes nothing except your own understanding.
"""

import jax, jax.numpy as jnp
import numpy as np

N_NODES = 10000
D_IN = 128
HIDDEN = 128
OUT = 128
N_EDGES = 320000


def setup_inputs(seed: int = 0) -> dict:
    key = jax.random.key(seed)
    ks = jax.random.split(key, 8)
    x = jax.random.normal(ks[0], (N_NODES, D_IN), dtype=jnp.float32)
    edge_index = jax.random.randint(ks[1], (2, N_EDGES), 0, N_NODES, dtype=jnp.int64)
    s1 = 1.0 / np.sqrt(D_IN)
    s2 = 1.0 / np.sqrt(HIDDEN)
    W1l = jax.random.uniform(ks[2], (D_IN, HIDDEN), jnp.float32, -s1, s1)
    W1r = jax.random.uniform(ks[3], (D_IN, HIDDEN), jnp.float32, -s1, s1)
    b1 = jnp.zeros((HIDDEN,), jnp.float32)
    W2l = jax.random.uniform(ks[4], (HIDDEN, OUT), jnp.float32, -s2, s2)
    W2r = jax.random.uniform(ks[5], (HIDDEN, OUT), jnp.float32, -s2, s2)
    b2 = jnp.zeros((OUT,), jnp.float32)
    return {"x": x, "edge_index": edge_index, "W1l": W1l, "W1r": W1r, "b1": b1,
            "W2l": W2l, "W2r": W2r, "b2": b2}


def _sage_conv(x, src, dst, Wl, Wr, b, n_nodes):
    # PyG SAGEConv (aggr='mean', root_weight=True, bias=True):
    # out = lin_l(mean_{j->i} x_j) + lin_r(x_i) + bias
    msg = jnp.take(x, src, axis=0)                                   # gather [E, d]
    agg = jax.ops.segment_sum(msg, dst, num_segments=n_nodes)        # scatter-add [N, d]
    cnt = jax.ops.segment_sum(jnp.ones((src.shape[0],), jnp.float32), dst, num_segments=n_nodes)
    agg = agg / jnp.clip(cnt, 1.0)[:, None]                          # mean with deg>=1 clamp
    return agg @ Wl + x @ Wr + b


def reference(x, edge_index, W1l, W1r, b1, W2l, W2r, b2):
    src = edge_index[0]
    dst = edge_index[1]
    n = x.shape[0]
    h = _sage_conv(x, src, dst, W1l, W1r, b1, n)
    h = jax.nn.relu(h)
    out = _sage_conv(h, src, dst, W2l, W2r, b2, n)
    return out

if __name__ == "__main__":
    import jax
    _d = setup_inputs()
    print(jax.jit(kernel)(*tuple(_d.values())))

</pallas_src>

<mosaic_0001>
#map = affine_map<(d0, d1) -> (0, 0)>
#map1 = affine_map<(d0, d1) -> (0)>
#map2 = affine_map<(d0, d1) -> (0, 0, 0)>
module attributes {stable_mosaic.version = 14 : i64} {
  func.func @body(%arg0: i32, %arg1: i32, %arg2: memref<10000x128xf32, #tpu.memory_space<hbm>>, %arg3: memref<640000xi32, #tpu.memory_space<hbm>>, %arg4: memref<2x10000x128xf32, #tpu.memory_space<hbm>>, %arg5: memref<176xi32, #tpu.memory_space<vmem>>, %arg6: memref<176xi32, #tpu.memory_space<vmem>>, %arg7: memref<176xi32, #tpu.memory_space<vmem>>, %arg8: memref<176xi32, #tpu.memory_space<vmem>>, %arg9: memref<176xi32, #tpu.memory_space<vmem>>, %arg10: memref<176xi32, #tpu.memory_space<vmem>>, %arg11: memref<176x128xf32, #tpu.memory_space<vmem>>, %arg12: memref<176x128xf32, #tpu.memory_space<vmem>>, %arg13: memref<10112x128xf32, #tpu.memory_space<vmem_shared>>, %arg14: memref<!tpu.dma_semaphore, #tpu.memory_space<semaphore_mem>>, %arg15: memref<!tpu.dma_semaphore, #tpu.memory_space<semaphore_mem>>, %arg16: memref<!tpu.dma_semaphore, #tpu.memory_space<semaphore_mem>>, %arg17: memref<!tpu.dma_semaphore, #tpu.memory_space<semaphore_mem>>, %arg18: memref<!tpu.dma_semaphore, #tpu.memory_space<semaphore_mem>>, %arg19: memref<!tpu.dma_semaphore, #tpu.memory_space<semaphore_mem>>) attributes {dimension_semantics = [#tpu.dimension_semantics<core_parallel>, #tpu.dimension_semantics<subcore_parallel>], iteration_bounds = array<i64: 2, 16>, scalar_prefetch = 0 : i64, scratch_operands = 15 : i64, tpu.core_type = #tpu.core_type<sc_vector_subcore>, window_params = [{transform_indices = #map}, {transform_indices = #map1}, {transform_indices = #map2}]} {
    %mul3A = arith.constant 2 : i32
    %mul3A_0 = arith.muli %arg1, %mul3A : i32
    %add3A = arith.addi %mul3A_0, %arg0 : i32
    %iota3A = tpu.iota {dimensions = array<i32: 0>} : vector<16xi32>
    %add3A_1 = arith.constant 10000 : i32
    %add3A_2 = vector.broadcast %add3A_1 : i32 to vector<16xi32>
    %add3A_3 = arith.addi %add3A_2, %iota3A : vector<16xi32>
    %iota3A_4 = tpu.iota {dimensions = array<i32: 0>} : vector<16xi32>
    %mul3A_5 = arith.constant 10000 : i32
    %mul3A_6 = arith.muli %add3A, %mul3A_5 : i32
    %add3A_7 = arith.constant 0 : i32
    %add3A_8 = arith.addi %mul3A_6, %add3A_7 : i32
    %min3A = arith.constant 319824 : i32
    %min3A_9 = arith.minsi %add3A_8, %min3A : i32
    %multiple_of3A = tpu.assume_multiple %min3A_9, 8 : i32
    %dma_start3A = tpu.memref_slice %arg3[%multiple_of3A] : memref<640000xi32, #tpu.memory_space<hbm>> -> memref<176xi32, #tpu.memory_space<hbm>>
    %dma_start3A_10 = tpu.memref_slice %arg3[%multiple_of3A] : memref<640000xi32, #tpu.memory_space<hbm>> -> memref<176xi32, #tpu.memory_space<hbm>>
    tpu.enqueue_dma source(%dma_start3A_10 : memref<176xi32, #tpu.memory_space<hbm>>) target(%arg5 : memref<176xi32, #tpu.memory_space<vmem>>) target_semaphore(%arg14 : memref<!tpu.dma_semaphore, #tpu.memory_space<semaphore_mem>>)
    %mul3A_11 = arith.constant 10000 : i32
    %mul3A_12 = arith.muli %add3A, %mul3A_11 : i32
    %add3A_13 = arith.constant 0 : i32
    %add3A_14 = arith.addi %mul3A_12, %add3A_13 : i32
    %min3A_15 = arith.constant 319824 : i32
    %min3A_16 = arith.minsi %add3A_14, %min3A_15 : i32
    %multiple_of3A_17 = tpu.assume_multiple %min3A_16, 8 : i32
    %add3A_18 = arith.constant 320000 : i32
    %add3A_19 = arith.addi %add3A_18, %multiple_of3A_17 : i32
    %dma_start3A_20 = tpu.memref_slice %arg3[%add3A_19] : memref<640000xi32, #tpu.memory_space<hbm>> -> memref<176xi32, #tpu.memory_space<hbm>>
    %dma_start3A_21 = tpu.memref_slice %arg3[%add3A_19] : memref<640000xi32, #tpu.memory_space<hbm>> -> memref<176xi32, #tpu.memory_space<hbm>>
    tpu.enqueue_dma source(%dma_start3A_21 : memref<176xi32, #tpu.memory_space<hbm>>) target(%arg7 : memref<176xi32, #tpu.memory_space<vmem>>) target_semaphore(%arg14 : memref<!tpu.dma_semaphore, #tpu.memory_space<semaphore_mem>>)
    %mul3A_22 = arith.constant 10000 : i32
    %mul3A_23 = arith.muli %add3A, %mul3A_22 : i32
    %add3A_24 = arith.constant 176 : i32
    %add3A_25 = arith.addi %mul3A_23, %add3A_24 : i32
    %min3A_26 = arith.constant 319824 : i32
    %min3A_27 = arith.minsi %add3A_25, %min3A_26 : i32
    %multiple_of3A_28 = tpu.assume_multiple %min3A_27, 8 : i32
    %dma_start3A_29 = tpu.memref_slice %arg3[%multiple_of3A_28] : memref<640000xi32, #tpu.memory_space<hbm>> -> memref<176xi32, #tpu.memory_space<hbm>>
    %dma_start3A_30 = tpu.memref_slice %arg3[%multiple_of3A_28] : memref<640000xi32, #tpu.memory_space<hbm>> -> memref<176xi32, #tpu.memory_space<hbm>>
    tpu.enqueue_dma source(%dma_start3A_30 : memref<176xi32, #tpu.memory_space<hbm>>) target(%arg6 : memref<176xi32, #tpu.memory_space<vmem>>) target_semaphore(%arg15 : memref<!tpu.dma_semaphore, #tpu.memory_space<semaphore_mem>>)
    %mul3A_31 = arith.constant 10000 : i32
    %mul3A_32 = arith.muli %add3A, %mul3A_31 : i32
    %add3A_33 = arith.constant 176 : i32
    %add3A_34 = arith.addi %mul3A_32, %add3A_33 : i32
    %min3A_35 = arith.constant 319824 : i32
    %min3A_36 = arith.minsi %add3A_34, %min3A_35 : i32
    %multiple_of3A_37 = tpu.assume_multiple %min3A_36, 8 : i32
    %add3A_38 = arith.constant 320000 : i32
    %add3A_39 = arith.addi %add3A_38, %multiple_of3A_37 : i32
    %dma_start3A_40 = tpu.memref_slice %arg3[%add3A_39] : memref<640000xi32, #tpu.memory_space<hbm>> -> memref<176xi32, #tpu.memory_space<hbm>>
    %dma_start3A_41 = tpu.memref_slice %arg3[%add3A_39] : memref<640000xi32, #tpu.memory_space<hbm>> -> memref<176xi32, #tpu.memory_space<hbm>>
    tpu.enqueue_dma source(%dma_start3A_41 : memref<176xi32, #tpu.memory_space<hbm>>) target(%arg8 : memref<176xi32, #tpu.memory_space<vmem>>) target_semaphore(%arg15 : memref<!tpu.dma_semaphore, #tpu.memory_space<semaphore_mem>>)
    %broadcast_in_dim3A = arith.constant 0.000000e+00 : f32
    %broadcast_in_dim3A_42 = vector.broadcast %broadcast_in_dim3A : f32 to vector<16xf32>
    %scan3A = arith.constant 0 : i32
    %scan3A_43 = arith.constant 0 : i32
    %scan3A_44 = arith.constant 176 : i32
    %scan3A_45 = arith.addi %scan3A_43, %scan3A_44 : i32
    %scan3A_46 = arith.constant 1 : i32
    scf.for %scan3A_108 = %scan3A_43 to %scan3A_45 step %scan3A_46  : i32 {
      %swap3A = arith.index_cast %scan3A_108 : i32 to index
      %swap3A_109 = arith.constant 0 : index
      %swap3A_110 = tpu.vector_load %arg11[%swap3A, %swap3A_109] {strides = array<i32>} : memref<176x128xf32, #tpu.memory_space<vmem>>, vector<1x16xf32>,
      %swap3A_111 = vector.shape_cast %swap3A_110 : vector<1x16xf32> to vector<16xf32>
      %swap3A_112 = vector.shape_cast %broadcast_in_dim3A_42 : vector<16xf32> to vector<1x16xf32>
      tpu.vector_store %arg11[%swap3A, %swap3A_109], %swap3A_112 {strides = array<i32>} : memref<176x128xf32, #tpu.memory_space<vmem>>, vector<1x16xf32>,
      %swap3A_113 = arith.index_cast %scan3A_108 : i32 to index
      %swap3A_114 = arith.constant 16 : index
      %swap3A_115 = tpu.vector_load %arg11[%swap3A_113, %swap3A_114] {strides = array<i32>} : memref<176x128xf32, #tpu.memory_space<vmem>>, vector<1x16xf32>,
      %swap3A_116 = vector.shape_cast %swap3A_115 : vector<1x16xf32> to vector<16xf32>
      %swap3A_117 = vector.shape_cast %broadcast_in_dim3A_42 : vector<16xf32> to vector<1x16xf32>
      tpu.vector_store %arg11[%swap3A_113, %swap3A_114], %swap3A_117 {strides = array<i32>} : memref<176x128xf32, #tpu.memory_space<vmem>>, vector<1x16xf32>,
      %swap3A_118 = arith.index_cast %scan3A_108 : i32 to index
      %swap3A_119 = arith.constant 32 : index
      %swap3A_120 = tpu.vector_load %arg11[%swap3A_118, %swap3A_119] {strides = array<i32>} : memref<176x128xf32, #tpu.memory_space<vmem>>, vector<1x16xf32>,
      %swap3A_121 = vector.shape_cast %swap3A_120 : vector<1x16xf32> to vector<16xf32>
      %swap3A_122 = vector.shape_cast %broadcast_in_dim3A_42 : vector<16xf32> to vector<1x16xf32>
      tpu.vector_store %arg11[%swap3A_118, %swap3A_119], %swap3A_122 {strides = array<i32>} : memref<176x128xf32, #tpu.memory_space<vmem>>, vector<1x16xf32>,
      %swap3A_123 = arith.index_cast %scan3A_108 : i32 to index
      %swap3A_124 = arith.constant 48 : index
      %swap3A_125 = tpu.vector_load %arg11[%swap3A_123, %swap3A_124] {strides = array<i32>} : memref<176x128xf32, #tpu.memory_space<vmem>>, vector<1x16xf32>,
      %swap3A_126 = vector.shape_cast %swap3A_125 : vector<1x16xf32> to vector<16xf32>
      %swap3A_127 = vector.shape_cast %broadcast_in_dim3A_42 : vector<16xf32> to vector<1x16xf32>
      tpu.vector_store %arg11[%swap3A_123, %swap3A_124], %swap3A_127 {strides = array<i32>} : memref<176x128xf32, #tpu.memory_space<vmem>>, vector<1x16xf32>,
      %swap3A_128 = arith.index_cast %scan3A_108 : i32 to index
      %swap3A_129 = arith.constant 64 : index
      %swap3A_130 = tpu.vector_load %arg11[%swap3A_128, %swap3A_129] {strides = array<i32>} : memref<176x128xf32, #tpu.memory_space<vmem>>, vector<1x16xf32>,
      %swap3A_131 = vector.shape_cast %swap3A_130 : vector<1x16xf32> to vector<16xf32>
      %swap3A_132 = vector.shape_cast %broadcast_in_dim3A_42 : vector<16xf32> to vector<1x16xf32>
      tpu.vector_store %arg11[%swap3A_128, %swap3A_129], %swap3A_132 {strides = array<i32>} : memref<176x128xf32, #tpu.memory_space<vmem>>, vector<1x16xf32>,
      %swap3A_133 = arith.index_cast %scan3A_108 : i32 to index
      %swap3A_134 = arith.constant 80 : index
      %swap3A_135 = tpu.vector_load %arg11[%swap3A_133, %swap3A_134] {strides = array<i32>} : memref<176x128xf32, #tpu.memory_space<vmem>>, vector<1x16xf32>,
      %swap3A_136 = vector.shape_cast %swap3A_135 : vector<1x16xf32> to vector<16xf32>
      %swap3A_137 = vector.shape_cast %broadcast_in_dim3A_42 : vector<16xf32> to vector<1x16xf32>
      tpu.vector_store %arg11[%swap3A_133, %swap3A_134], %swap3A_137 {strides = array<i32>} : memref<176x128xf32, #tpu.memory_space<vmem>>, vector<1x16xf32>,
      %swap3A_138 = arith.index_cast %scan3A_108 : i32 to index
      %swap3A_139 = arith.constant 96 : index
      %swap3A_140 = tpu.vector_load %arg11[%swap3A_138, %swap3A_139] {strides = array<i32>} : memref<176x128xf32, #tpu.memory_space<vmem>>, vector<1x16xf32>,
      %swap3A_141 = vector.shape_cast %swap3A_140 : vector<1x16xf32> to vector<16xf32>
      %swap3A_142 = vector.shape_cast %broadcast_in_dim3A_42 : vector<16xf32> to vector<1x16xf32>
      tpu.vector_store %arg11[%swap3A_138, %swap3A_139], %swap3A_142 {strides = array<i32>} : memref<176x128xf32, #tpu.memory_space<vmem>>, vector<1x16xf32>,
      %swap3A_143 = arith.index_cast %scan3A_108 : i32 to index
      %swap3A_144 = arith.constant 112 : index
      %swap3A_145 = tpu.vector_load %arg11[%swap3A_143, %swap3A_144] {strides = array<i32>} : memref<176x128xf32, #tpu.memory_space<vmem>>, vector<1x16xf32>,
      %swap3A_146 = vector.shape_cast %swap3A_145 : vector<1x16xf32> to vector<16xf32>
      %swap3A_147 = vector.shape_cast %broadcast_in_dim3A_42 : vector<16xf32> to vector<1x16xf32>
      tpu.vector_store %arg11[%swap3A_143, %swap3A_144], %swap3A_147 {strides = array<i32>} : memref<176x128xf32, #tpu.memory_space<vmem>>, vector<1x16xf32>,
    }
    %scan3A_47 = arith.constant 176 : i32
    %mul3A_48 = arith.constant 632 : i32
    %mul3A_49 = arith.muli %arg1, %mul3A_48 : i32
    %multiple_of3A_50 = tpu.assume_multiple %mul3A_49, 8 : i32
    %add3A_51 = arith.constant 0 : i32
    %add3A_52 = arith.addi %multiple_of3A_50, %add3A_51 : i32
    "tpu.region"() ({
      %run_scoped3A = tpu.sem_alloc : memref<!tpu.dma_semaphore, #tpu.memory_space<semaphore_mem>>
      %dma_start3A_108 = arith.constant 0 : i32
      %dma_start3A_109 = tpu.memref_slice %arg13[%add3A_52, %dma_start3A_108] : memref<10112x128xf32, #tpu.memory_space<vmem_shared>> -> memref<176x128xf32, #tpu.memory_space<vmem_shared>>
      %dma_start3A_110 = arith.constant 0 : i32
      %dma_start3A_111 = tpu.memref_slice %arg13[%add3A_52, %dma_start3A_110] : memref<10112x128xf32, #tpu.memory_space<vmem_shared>> -> memref<176x128xf32, #tpu.memory_space<vmem_shared>>
      tpu.enqueue_dma source(%arg11 : memref<176x128xf32, #tpu.memory_space<vmem>>) target(%dma_start3A_111 : memref<176x128xf32, #tpu.memory_space<vmem_shared>>) target_semaphore(%run_scoped3A : memref<!tpu.dma_semaphore, #tpu.memory_space<semaphore_mem>>)
      %dma_wait3A_112 = arith.constant 0 : i32
      %dma_wait3A_113 = tpu.memref_slice %arg13[%add3A_52, %dma_wait3A_112] : memref<10112x128xf32, #tpu.memory_space<vmem_shared>> -> memref<176x128xf32, #tpu.memory_space<vmem_shared>>
      %dma_wait3A_114 = arith.constant 0 : i32
      %dma_wait3A_115 = tpu.memref_slice %arg13[%add3A_52, %dma_wait3A_114] : memref<10112x128xf32, #tpu.memory_space<vmem_shared>> -> memref<176x128xf32, #tpu.memory_space<vmem_shared>>
      tpu.wait_dma2 semaphore(%run_scoped3A : memref<!tpu.dma_semaphore, #tpu.memory_space<semaphore_mem>>) src(%arg11 : memref<176x128xf32, #tpu.memory_space<vmem>>) dst(%dma_wait3A_115 : memref<176x128xf32, #tpu.memory_space<vmem_shared>>)
      tpu.yield
    }) : () -> ()
    %add3A_53 = arith.constant 176 : i32
    %add3A_54 = arith.addi %multiple_of3A_50, %add3A_53 : i32
    "tpu.region"() ({
      %run_scoped3A = tpu.sem_alloc : memref<!tpu.dma_semaphore, #tpu.memory_space<semaphore_mem>>
      %dma_start3A_108 = arith.constant 0 : i32
      %dma_start3A_109 = tpu.memref_slice %arg13[%add3A_54, %dma_start3A_108] : memref<10112x128xf32, #tpu.memory_space<vmem_shared>> -> memref<176x128xf32, #tpu.memory_space<vmem_shared>>
      %dma_start3A_110 = arith.constant 0 : i32
      %dma_start3A_111 = tpu.memref_slice %arg13[%add3A_54, %dma_start3A_110] : memref<10112x128xf32, #tpu.memory_space<vmem_shared>> -> memref<176x128xf32, #tpu.memory_space<vmem_shared>>
      tpu.enqueue_dma source(%arg11 : memref<176x128xf32, #tpu.memory_space<vmem>>) target(%dma_start3A_111 : memref<176x128xf32, #tpu.memory_space<vmem_shared>>) target_semaphore(%run_scoped3A : memref<!tpu.dma_semaphore, #tpu.memory_space<semaphore_mem>>)
      %dma_wait3A_112 = arith.constant 0 : i32
      %dma_wait3A_113 = tpu.memref_slice %arg13[%add3A_54, %dma_wait3A_112] : memref<10112x128xf32, #tpu.memory_space<vmem_shared>> -> memref<176x128xf32, #tpu.memory_space<vmem_shared>>
      %dma_wait3A_114 = arith.constant 0 : i32
      %dma_wait3A_115 = tpu.memref_slice %arg13[%add3A_54, %dma_wait3A_114] : memref<10112x128xf32, #tpu.memory_space<vmem_shared>> -> memref<176x128xf32, #tpu.memory_space<vmem_shared>>
      tpu.wait_dma2 semaphore(%run_scoped3A : memref<!tpu.dma_semaphore, #tpu.memory_space<semaphore_mem>>) src(%arg11 : memref<176x128xf32, #tpu.memory_space<vmem>>) dst(%dma_wait3A_115 : memref<176x128xf32, #tpu.memory_space<vmem_shared>>)
      tpu.yield
    }) : () -> ()
    %add3A_55 = arith.constant 352 : i32
    %add3A_56 = arith.addi %multiple_of3A_50, %add3A_55 : i32
    "tpu.region"() ({
      %run_scoped3A = tpu.sem_alloc : memref<!tpu.dma_semaphore, #tpu.memory_space<semaphore_mem>>
      %dma_start3A_108 = arith.constant 0 : i32
      %dma_start3A_109 = tpu.memref_slice %arg13[%add3A_56, %dma_start3A_108] : memref<10112x128xf32, #tpu.memory_space<vmem_shared>> -> memref<176x128xf32, #tpu.memory_space<vmem_shared>>
      %dma_start3A_110 = arith.constant 0 : i32
      %dma_start3A_111 = tpu.memref_slice %arg13[%add3A_56, %dma_start3A_110] : memref<10112x128xf32, #tpu.memory_space<vmem_shared>> -> memref<176x128xf32, #tpu.memory_space<vmem_shared>>
      tpu.enqueue_dma source(%arg11 : memref<176x128xf32, #tpu.memory_space<vmem>>) target(%dma_start3A_111 : memref<176x128xf32, #tpu.memory_space<vmem_shared>>) target_semaphore(%run_scoped3A : memref<!tpu.dma_semaphore, #tpu.memory_space<semaphore_mem>>)
      %dma_wait3A_112 = arith.constant 0 : i32
      %dma_wait3A_113 = tpu.memref_slice %arg13[%add3A_56, %dma_wait3A_112] : memref<10112x128xf32, #tpu.memory_space<vmem_shared>> -> memref<176x128xf32, #tpu.memory_space<vmem_shared>>
      %dma_wait3A_114 = arith.constant 0 : i32
      %dma_wait3A_115 = tpu.memref_slice %arg13[%add3A_56, %dma_wait3A_114] : memref<10112x128xf32, #tpu.memory_space<vmem_shared>> -> memref<176x128xf32, #tpu.memory_space<vmem_shared>>
      tpu.wait_dma2 semaphore(%run_scoped3A : memref<!tpu.dma_semaphore, #tpu.memory_space<semaphore_mem>>) src(%arg11 : memref<176x128xf32, #tpu.memory_space<vmem>>) dst(%dma_wait3A_115 : memref<176x128xf32, #tpu.memory_space<vmem_shared>>)
      tpu.yield
    }) : () -> ()
    %add3A_57 = arith.constant 528 : i32
    %add3A_58 = arith.addi %multiple_of3A_50, %add3A_57 : i32
    "tpu.region"() ({
      %run_scoped3A = tpu.sem_alloc : memref<!tpu.dma_semaphore, #tpu.memory_space<semaphore_mem>>
      %dma_start3A_108 = arith.constant 0 : i32
      %dma_start3A_109 = arith.constant 0 : i32
      %dma_start3A_110 = tpu.memref_slice %arg11[%dma_start3A_108, %dma_start3A_109] : memref<176x128xf32, #tpu.memory_space<vmem>> -> memref<104x128xf32, #tpu.memory_space<vmem>>
      %dma_start3A_111 = arith.constant 0 : i32
      %dma_start3A_112 = tpu.memref_slice %arg13[%add3A_58, %dma_start3A_111] : memref<10112x128xf32, #tpu.memory_space<vmem_shared>> -> memref<104x128xf32, #tpu.memory_space<vmem_shared>>
      %dma_start3A_113 = arith.constant 0 : i32
      %dma_start3A_114 = tpu.memref_slice %arg13[%add3A_58, %dma_start3A_113] : memref<10112x128xf32, #tpu.memory_space<vmem_shared>> -> memref<104x128xf32, #tpu.memory_space<vmem_shared>>
      %dma_start3A_115 = arith.constant 0 : i32
      %dma_start3A_116 = arith.constant 0 : i32
      %dma_start3A_117 = tpu.memref_slice %arg11[%dma_start3A_115, %dma_start3A_116] : memref<176x128xf32, #tpu.memory_space<vmem>> -> memref<104x128xf32, #tpu.memory_space<vmem>>
      tpu.enqueue_dma source(%dma_start3A_117 : memref<104x128xf32, #tpu.memory_space<vmem>>) target(%dma_start3A_114 : memref<104x128xf32, #tpu.memory_space<vmem_shared>>) target_semaphore(%run_scoped3A : memref<!tpu.dma_semaphore, #tpu.memory_space<semaphore_mem>>)
      %dma_wait3A_118 = arith.constant 0 : i32
      %dma_wait3A_119 = arith.constant 0 : i32
      %dma_wait3A_120 = tpu.memref_slice %arg11[%dma_wait3A_118, %dma_wait3A_119] : memref<176x128xf32, #tpu.memory_space<vmem>> -> memref<104x128xf32, #tpu.memory_space<vmem>>
      %dma_wait3A_121 = arith.constant 0 : i32
      %dma_wait3A_122 = tpu.memref_slice %arg13[%add3A_58, %dma_wait3A_121] : memref<10112x128xf32, #tpu.memory_space<vmem_shared>> -> memref<104x128xf32, #tpu.memory_space<vmem_shared>>
      %dma_wait3A_123 = arith.constant 0 : i32
      %dma_wait3A_124 = tpu.memref_slice %arg13[%add3A_58, %dma_wait3A_123] : memref<10112x128xf32, #tpu.memory_space<vmem_shared>> -> memref<104x128xf32, #tpu.memory_space<vmem_shared>>
      %dma_wait3A_125 = arith.constant 0 : i32
      %dma_wait3A_126 = arith.constant 0 : i32
      %dma_wait3A_127 = tpu.memref_slice %arg11[%dma_wait3A_125, %dma_wait3A_126] : memref<176x128xf32, #tpu.memory_space<vmem>> -> memref<104x128xf32, #tpu.memory_space<vmem>>
      tpu.wait_dma2 semaphore(%run_scoped3A : memref<!tpu.dma_semaphore, #tpu.memory_space<semaphore_mem>>) src(%dma_wait3A_127 : memref<104x128xf32, #tpu.memory_space<vmem>>) dst(%dma_wait3A_124 : memref<104x128xf32, #tpu.memory_space<vmem_shared>>)
      tpu.yield
    }) : () -> ()
    %barrier3A = arith.constant 0 : index
    tpu.barrier barrier_id(%barrier3A)
    %mul3A_59 = arith.constant 10000 : i32
    %mul3A_60 = arith.muli %add3A, %mul3A_59 : i32
    %add3A_61 = arith.constant 0 : i32
    %add3A_62 = arith.addi %mul3A_60, %add3A_61 : i32
    %min3A_63 = arith.constant 319824 : i32
    %min3A_64 = arith.minsi %add3A_62, %min3A_63 : i32
    %multiple_of3A_65 = tpu.assume_multiple %min3A_64, 8 : i32
    %dma_wait3A = tpu.memref_slice %arg3[%multiple_of3A_65] : memref<640000xi32, #tpu.memory_space<hbm>> -> memref<176xi32, #tpu.memory_space<hbm>>
    %dma_wait3A_66 = tpu.memref_slice %arg3[%multiple_of3A_65] : memref<640000xi32, #tpu.memory_space<hbm>> -> memref<176xi32, #tpu.memory_space<hbm>>
    tpu.wait_dma2 semaphore(%arg14 : memref<!tpu.dma_semaphore, #tpu.memory_space<semaphore_mem>>) src(%dma_wait3A_66 : memref<176xi32, #tpu.memory_space<hbm>>) dst(%arg5 : memref<176xi32, #tpu.memory_space<vmem>>)
    %mul3A_67 = arith.constant 10000 : i32
    %mul3A_68 = arith.muli %add3A, %mul3A_67 : i32
    %add3A_69 = arith.constant 0 : i32
    %add3A_70 = arith.addi %mul3A_68, %add3A_69 : i32
    %min3A_71 = arith.constant 319824 : i32
    %min3A_72 = arith.minsi %add3A_70, %min3A_71 : i32
    %multiple_of3A_73 = tpu.assume_multiple %min3A_72, 8 : i32
    %add3A_74 = arith.constant 320000 : i32
    %add3A_75 = arith.addi %add3A_74, %multiple_of3A_73 : i32
    %dma_wait3A_76 = tpu.memref_slice %arg3[%add3A_75] : memref<640000xi32, #tpu.memory_space<hbm>> -> memref<176xi32, #tpu.memory_space<hbm>>
    %dma_wait3A_77 = tpu.memref_slice %arg3[%add3A_75] : memref<640000xi32, #tpu.memory_space<hbm>> -> memref<176xi32, #tpu.memory_space<hbm>>
    tpu.wait_dma2 semaphore(%arg14 : memref<!tpu.dma_semaphore, #tpu.memory_space<semaphore_mem>>) src(%dma_wait3A_77 : memref<176xi32, #tpu.memory_space<hbm>>) dst(%arg7 : memref<176xi32, #tpu.memory_space<vmem>>)
    %mul3A_78 = arith.constant 10000 : i32
    %mul3A_79 = arith.muli %add3A, %mul3A_78 : i32
    %add3A_80 = arith.constant 0 : i32
    %add3A_81 = arith.addi %mul3A_79, %add3A_80 : i32
    %min3A_82 = arith.constant 319824 : i32
    %min3A_83 = arith.minsi %add3A_81, %min3A_82 : i32
    %sub3A = arith.subi %add3A_81, %min3A_83 : i32
    %scan3A_84 = arith.constant 0 : i32
    %scan3A_85 = arith.constant 0 : i32
    %scan3A_86 = arith.constant 11 : i32
    %scan3A_87 = arith.addi %scan3A_85, %scan3A_86 : i32
    %scan3A_88 = arith.constant 1 : i32
    scf.for %scan3A_108 = %scan3A_85 to %scan3A_87 step %scan3A_88  : i32 {
      %mul3A_109 = arith.constant 16 : i32
      %mul3A_110 = arith.muli %scan3A_108, %mul3A_109 : i32
      %get3A = arith.index_cast %mul3A_110 : i32 to index
      %get3A_111 = tpu.vector_load %arg7[%get3A] {strides = array<i32>} : memref<176xi32, #tpu.memory_space<vmem>>, vector<16xi32>,
      %get3A_112 = vector.shape_cast %get3A_111 : vector<16xi32> to vector<16xi32>
      %mul3A_113 = arith.constant 16 : i32
      %mul3A_114 = arith.muli %scan3A_108, %mul3A_113 : i32
      %add3A_115 = vector.broadcast %mul3A_114 : i32 to vector<16xi32>
      %add3A_116 = arith.addi %add3A_115, %iota3A_4 : vector<16xi32>
      %ge3A = vector.broadcast %sub3A : i32 to vector<16xi32>
      %ge3A_117 = arith.cmpi sge, %add3A_116, %ge3A : vector<16xi32>
      %sub3A_118 = arith.constant 0 : i32
      %sub3A_119 = arith.subi %sub3A_118, %sub3A : i32
      %add3A_120 = vector.broadcast %sub3A_119 : i32 to vector<16xi32>
      %add3A_121 = arith.addi %add3A_116, %add3A_120 : vector<16xi32>
      %lt3A = arith.constant 10000 : i32
      %lt3A_122 = vector.broadcast %lt3A : i32 to vector<16xi32>
      %lt3A_123 = arith.cmpi slt, %add3A_121, %lt3A_122 : vector<16xi32>
      %and3A = arith.andi %ge3A_117, %lt3A_123 : vector<16xi1>
      %select_n3A = arith.select %and3A, %get3A_112, %add3A_3 : vector<16xi1>, vector<16xi32>
      %mul3A_124 = arith.constant 16 : i32
      %mul3A_125 = arith.muli %scan3A_108, %mul3A_124 : i32
      %swap3A = arith.index_cast %mul3A_125 : i32 to index
      %swap3A_126 = tpu.vector_load %arg9[%swap3A] {strides = array<i32>} : memref<176xi32, #tpu.memory_space<vmem>>, vector<16xi32>,
      %swap3A_127 = vector.shape_cast %swap3A_126 : vector<16xi32> to vector<16xi32>
      %swap3A_128 = vector.shape_cast %select_n3A : vector<16xi32> to vector<16xi32>
      tpu.vector_store %arg9[%swap3A], %swap3A_128 {strides = array<i32>} : memref<176xi32, #tpu.memory_space<vmem>>, vector<16xi32>,
    }
    %scan3A_89 = arith.constant 11 : i32
    %dma_start3A_90 = arith.constant 0 : i32
    %dma_start3A_91 = arith.constant 0 : i32
    %dma_start3A_92 = tpu.memref_slice %arg2[%dma_start3A_90, %dma_start3A_91] : memref<10000x128xf32, #tpu.memory_space<hbm>> -> memref<10000x128xf32, #tpu.memory_space<hbm>>
    tpu.enqueue_indirect_dma source(%dma_start3A_92 : memref<10000x128xf32, #tpu.memory_space<hbm>>) target(%arg11 : memref<176x128xf32, #tpu.memory_space<vmem>>) offsets(%arg5 : memref<176xi32, #tpu.memory_space<vmem>>) semaphore(%arg16 : memref<!tpu.dma_semaphore, #tpu.memory_space<semaphore_mem>>)
    %scan3A_93 = arith.constant 0 : i32
    %scan3A_94 = arith.constant 0 : i32
    %scan3A_95 = arith.constant 29 : i32
    %scan3A_96 = arith.addi %scan3A_94, %scan3A_95 : i32
    %scan3A_97 = arith.constant 1 : i32
    scf.for %scan3A_108 = %scan3A_94 to %scan3A_96 step %scan3A_97  : i32 {
      %mul3A_109 = arith.constant 2 : i32
      %mul3A_110 = arith.muli %mul3A_109, %scan3A_108 : i32
      %mul3A_111 = arith.constant 2 : i32
      %mul3A_112 = arith.muli %mul3A_111, %scan3A_108 : i32
      %add3A_113 = arith.constant 1 : i32
      %add3A_114 = arith.addi %mul3A_112, %add3A_113 : i32
      %mul3A_115 = arith.constant 10000 : i32
      %mul3A_116 = arith.muli %add3A, %mul3A_115 : i32
      %mul3A_117 = arith.constant 176 : i32
      %mul3A_118 = arith.muli %add3A_114, %mul3A_117 : i32
      %add3A_119 = arith.addi %mul3A_116, %mul3A_118 : i32
      %min3A_120 = arith.constant 319824 : i32
      %min3A_121 = arith.minsi %add3A_119, %min3A_120 : i32
      %multiple_of3A_122 = tpu.assume_multiple %min3A_121, 8 : i32
      %dma_wait3A_123 = tpu.memref_slice %arg3[%multiple_of3A_122] : memref<640000xi32, #tpu.memory_space<hbm>> -> memref<176xi32, #tpu.memory_space<hbm>>
      %dma_wait3A_124 = tpu.memref_slice %arg3[%multiple_of3A_122] : memref<640000xi32, #tpu.memory_space<hbm>> -> memref<176xi32, #tpu.memory_space<hbm>>
      tpu.wait_dma2 semaphore(%arg15 : memref<!tpu.dma_semaphore, #tpu.memory_space<semaphore_mem>>) src(%dma_wait3A_124 : memref<176xi32, #tpu.memory_space<hbm>>) dst(%arg6 : memref<176xi32, #tpu.memory_space<vmem>>)
      %mul3A_125 = arith.constant 10000 : i32
      %mul3A_126 = arith.muli %add3A, %mul3A_125 : i32
      %mul3A_127 = arith.constant 176 : i32
      %mul3A_128 = arith.muli %add3A_114, %mul3A_127 : i32
      %add3A_129 = arith.addi %mul3A_126, %mul3A_128 : i32
      %min3A_130 = arith.constant 319824 : i32
      %min3A_131 = arith.minsi %add3A_129, %min3A_130 : i32
      %multiple_of3A_132 = tpu.assume_multiple %min3A_131, 8 : i32
      %add3A_133 = arith.constant 320000 : i32
      %add3A_134 = arith.addi %add3A_133, %multiple_of3A_132 : i32
      %dma_wait3A_135 = tpu.memref_slice %arg3[%add3A_134] : memref<640000xi32, #tpu.memory_space<hbm>> -> memref<176xi32, #tpu.memory_space<hbm>>
      %dma_wait3A_136 = tpu.memref_slice %arg3[%add3A_134] : memref<640000xi32, #tpu.memory_space<hbm>> -> memref<176xi32, #tpu.memory_space<hbm>>
      tpu.wait_dma2 semaphore(%arg15 : memref<!tpu.dma_semaphore, #tpu.memory_space<semaphore_mem>>) src(%dma_wait3A_136 : memref<176xi32, #tpu.memory_space<hbm>>) dst(%arg8 : memref<176xi32, #tpu.memory_space<vmem>>)
      %gt3A = arith.constant 0 : i32
      %gt3A_137 = arith.cmpi sgt, %scan3A_108, %gt3A : i32
      %convert_element_type3A_138 = arith.extui %gt3A_137 : i1 to i32
      %cond3A_139 = arith.constant 0 : i32
      %cond3A_140 = arith.cmpi ne, %convert_element_type3A_138, %cond3A_139 : i32
      scf.if %cond3A_140 {
        %dma_wait3A_193 = arith.constant 0 : i32
        %dma_wait3A_194 = arith.constant 0 : i32
        %dma_wait3A_195 = tpu.memref_slice %arg13[%dma_wait3A_193, %dma_wait3A_194] : memref<10112x128xf32, #tpu.memory_space<vmem_shared>> -> memref<10112x128xf32, #tpu.memory_space<vmem_shared>>
        tpu.wait_indirect_dma semaphore(%arg19 : memref<!tpu.dma_semaphore, #tpu.memory_space<semaphore_mem>>) src(%arg12 : memref<176x128xf32, #tpu.memory_space<vmem>>) dst(%dma_wait3A_195 : memref<10112x128xf32, #tpu.memory_space<vmem_shared>>)
      } else {
      }
      %mul3A_141 = arith.constant 10000 : i32
      %mul3A_142 = arith.muli %add3A, %mul3A_141 : i32
      %mul3A_143 = arith.constant 176 : i32
      %mul3A_144 = arith.muli %add3A_114, %mul3A_143 : i32
      %add3A_145 = arith.addi %mul3A_142, %mul3A_144 : i32
      %min3A_146 = arith.constant 319824 : i32
      %min3A_147 = arith.minsi %add3A_145, %min3A_146 : i32
      %sub3A_148 = arith.subi %add3A_145, %min3A_147 : i32
      %scan3A_149 = arith.constant 0 : i32
      %scan3A_150 = arith.constant 0 : i32
      %scan3A_151 = arith.constant 11 : i32
      %scan3A_152 = arith.addi %scan3A_150, %scan3A_151 : i32
      %scan3A_153 = arith.constant 1 : i32
      scf.for %scan3A_193 = %scan3A_150 to %scan3A_152 step %scan3A_153  : i32 {
        %mul3A_194 = arith.constant 16 : i32
        %mul3A_195 = arith.muli %scan3A_193, %mul3A_194 : i32
        %get3A = arith.index_cast %mul3A_195 : i32 to index
        %get3A_196 = tpu.vector_load %arg8[%get3A] {strides = array<i32>} : memref<176xi32, #tpu.memory_space<vmem>>, vector<16xi32>,
        %get3A_197 = vector.shape_cast %get3A_196 : vector<16xi32> to vector<16xi32>
        %mul3A_198 = arith.constant 16 : i32
        %mul3A_199 = arith.muli %scan3A_193, %mul3A_198 : i32
        %add3A_200 = vector.broadcast %mul3A_199 : i32 to vector<16xi32>
        %add3A_201 = arith.addi %add3A_200, %iota3A_4 : vector<16xi32>
        %ge3A = vector.broadcast %sub3A_148 : i32 to vector<16xi32>
        %ge3A_202 = arith.cmpi sge, %add3A_201, %ge3A : vector<16xi32>
        %mul3A_203 = arith.constant 176 : i32
        %mul3A_204 = arith.muli %add3A_114, %mul3A_203 : i32
        %sub3A_205 = arith.subi %mul3A_204, %sub3A_148 : i32
        %add3A_206 = vector.broadcast %sub3A_205 : i32 to vector<16xi32>
        %add3A_207 = arith.addi %add3A_201, %add3A_206 : vector<16xi32>
        %lt3A_208 = arith.constant 10000 : i32
        %lt3A_209 = vector.broadcast %lt3A_208 : i32 to vector<16xi32>
        %lt3A_210 = arith.cmpi slt, %add3A_207, %lt3A_209 : vector<16xi32>
        %and3A = arith.andi %ge3A_202, %lt3A_210 : vector<16xi1>
        %select_n3A = arith.select %and3A, %get3A_197, %add3A_3 : vector<16xi1>, vector<16xi32>
        %mul3A_211 = arith.constant 16 : i32
        %mul3A_212 = arith.muli %scan3A_193, %mul3A_211 : i32
        %swap3A = arith.index_cast %mul3A_212 : i32 to index
        %swap3A_213 = tpu.vector_load %arg10[%swap3A] {strides = array<i32>} : memref<176xi32, #tpu.memory_space<vmem>>, vector<16xi32>,
        %swap3A_214 = vector.shape_cast %swap3A_213 : vector<16xi32> to vector<16xi32>
        %swap3A_215 = vector.shape_cast %select_n3A : vector<16xi32> to vector<16xi32>
        tpu.vector_store %arg10[%swap3A], %swap3A_215 {strides = array<i32>} : memref<176xi32, #tpu.memory_space<vmem>>, vector<16xi32>,
      }
      %scan3A_154 = arith.constant 11 : i32
      %dma_wait3A_155 = arith.constant 0 : i32
      %dma_wait3A_156 = arith.constant 0 : i32
      %dma_wait3A_157 = tpu.memref_slice %arg2[%dma_wait3A_155, %dma_wait3A_156] : memref<10000x128xf32, #tpu.memory_space<hbm>> -> memref<10000x128xf32, #tpu.memory_space<hbm>>
      tpu.wait_indirect_dma semaphore(%arg16 : memref<!tpu.dma_semaphore, #tpu.memory_space<semaphore_mem>>) src(%dma_wait3A_157 : memref<10000x128xf32, #tpu.memory_space<hbm>>) dst(%arg11 : memref<176x128xf32, #tpu.memory_space<vmem>>)
      %dma_start3A_158 = arith.constant 0 : i32
      %dma_start3A_159 = arith.constant 0 : i32
      %dma_start3A_160 = tpu.memref_slice %arg2[%dma_start3A_158, %dma_start3A_159] : memref<10000x128xf32, #tpu.memory_space<hbm>> -> memref<10000x128xf32, #tpu.memory_space<hbm>>
      tpu.enqueue_indirect_dma source(%dma_start3A_160 : memref<10000x128xf32, #tpu.memory_space<hbm>>) target(%arg12 : memref<176x128xf32, #tpu.memory_space<vmem>>) offsets(%arg6 : memref<176xi32, #tpu.memory_space<vmem>>) semaphore(%arg17 : memref<!tpu.dma_semaphore, #tpu.memory_space<semaphore_mem>>)
      %add3A_161 = arith.constant 2 : i32
      %add3A_162 = arith.addi %mul3A_110, %add3A_161 : i32
      %lt3A = arith.constant 58 : i32
      %lt3A_163 = arith.cmpi slt, %add3A_162, %lt3A : i32
      %convert_element_type3A_164 = arith.extui %lt3A_163 : i1 to i32
      %cond3A_165 = arith.constant 0 : i32
      %cond3A_166 = arith.cmpi ne, %convert_element_type3A_164, %cond3A_165 : i32
      scf.if %cond3A_166 {
        %add3A_193 = arith.constant 2 : i32
        %add3A_194 = arith.addi %mul3A_110, %add3A_193 : i32
        %mul3A_195 = arith.constant 10000 : i32
        %mul3A_196 = arith.muli %add3A, %mul3A_195 : i32
        %mul3A_197 = arith.constant 176 : i32
        %mul3A_198 = arith.muli %add3A_194, %mul3A_197 : i32
        %add3A_199 = arith.addi %mul3A_196, %mul3A_198 : i32
        %min3A_200 = arith.constant 319824 : i32
        %min3A_201 = arith.minsi %add3A_199, %min3A_200 : i32
        %multiple_of3A_202 = tpu.assume_multiple %min3A_201, 8 : i32
        %dma_start3A_203 = tpu.memref_slice %arg3[%multiple_of3A_202] : memref<640000xi32, #tpu.memory_space<hbm>> -> memref<176xi32, #tpu.memory_space<hbm>>
        %dma_start3A_204 = tpu.memref_slice %arg3[%multiple_of3A_202] : memref<640000xi32, #tpu.memory_space<hbm>> -> memref<176xi32, #tpu.memory_space<hbm>>
        tpu.enqueue_dma source(%dma_start3A_204 : memref<176xi32, #tpu.memory_space<hbm>>) target(%arg5 : memref<176xi32, #tpu.memory_space<vmem>>) target_semaphore(%arg14 : memref<!tpu.dma_semaphore, #tpu.memory_space<semaphore_mem>>)
        %mul3A_205 = arith.constant 10000 : i32
        %mul3A_206 = arith.muli %add3A, %mul3A_205 : i32
        %mul3A_207 = arith.constant 176 : i32
        %mul3A_208 = arith.muli %add3A_194, %mul3A_207 : i32
        %add3A_209 = arith.addi %mul3A_206, %mul3A_208 : i32
        %min3A_210 = arith.constant 319824 : i32
        %min3A_211 = arith.minsi %add3A_209, %min3A_210 : i32
        %multiple_of3A_212 = tpu.assume_multiple %min3A_211, 8 : i32
        %add3A_213 = arith.constant 320000 : i32
        %add3A_214 = arith.addi %add3A_213, %multiple_of3A_212 : i32
        %dma_start3A_215 = tpu.memref_slice %arg3[%add3A_214] : memref<640000xi32, #tpu.memory_space<hbm>> -> memref<176xi32, #tpu.memory_space<hbm>>
        %dma_start3A_216 = tpu.memref_slice %arg3[%add3A_214] : memref<640000xi32, #tpu.memory_space<hbm>> -> memref<176xi32, #tpu.memory_space<hbm>>
        tpu.enqueue_dma source(%dma_start3A_216 : memref<176xi32, #tpu.memory_space<hbm>>) target(%arg7 : memref<176xi32, #tpu.memory_space<vmem>>) target_semaphore(%arg14 : memref<!tpu.dma_semaphore, #tpu.memory_space<semaphore_mem>>)
      } else {
      }
      %dma_start3A_167 = arith.constant 0 : i32
      %dma_start3A_168 = arith.constant 0 : i32
      %dma_start3A_169 = tpu.memref_slice %arg13[%dma_start3A_167, %dma_start3A_168] : memref<10112x128xf32, #tpu.memory_space<vmem_shared>> -> memref<10112x128xf32, #tpu.memory_space<vmem_shared>>
      tpu.enqueue_indirect_dma source(%arg11 : memref<176x128xf32, #tpu.memory_space<vmem>>) target(%dma_start3A_169 : memref<10112x128xf32, #tpu.memory_space<vmem_shared>>) offsets(%arg9 : memref<176xi32, #tpu.memory_space<vmem>>) semaphore(%arg18 : memref<!tpu.dma_semaphore, #tpu.memory_space<semaphore_mem>>) {add = true}
      %dma_wait3A_170 = arith.constant 0 : i32
      %dma_wait3A_171 = arith.constant 0 : i32
      %dma_wait3A_172 = tpu.memref_slice %arg2[%dma_wait3A_170, %dma_wait3A_171] : memref<10000x128xf32, #tpu.memory_space<hbm>> -> memref<10000x128xf32, #tpu.memory_space<hbm>>
      tpu.wait_indirect_dma semaphore(%arg17 : memref<!tpu.dma_semaphore, #tpu.memory_space<semaphore_mem>>) src(%dma_wait3A_172 : memref<10000x128xf32, #tpu.memory_space<hbm>>) dst(%arg12 : memref<176x128xf32, #tpu.memory_space<vmem>>)
      %dma_start3A_173 = arith.constant 0 : i32
      %dma_start3A_174 = arith.constant 0 : i32
      %dma_start3A_175 = tpu.memref_slice %arg13[%dma_start3A_173, %dma_start3A_174] : memref<10112x128xf32, #tpu.memory_space<vmem_shared>> -> memref<10112x128xf32, #tpu.memory_space<vmem_shared>>
      tpu.enqueue_indirect_dma source(%arg12 : memref<176x128xf32, #tpu.memory_space<vmem>>) target(%dma_start3A_175 : memref<10112x128xf32, #tpu.memory_space<vmem_shared>>) offsets(%arg10 : memref<176xi32, #tpu.memory_space<vmem>>) semaphore(%arg19 : memref<!tpu.dma_semaphore, #tpu.memory_space<semaphore_mem>>) {add = true}
      %dma_wait3A_176 = arith.constant 0 : i32
      %dma_wait3A_177 = arith.constant 0 : i32
      %dma_wait3A_178 = tpu.memref_slice %arg13[%dma_wait3A_176, %dma_wait3A_177] : memref<10112x128xf32, #tpu.memory_space<vmem_shared>> -> memref<10112x128xf32, #tpu.memory_space<vmem_shared>>
      tpu.wait_indirect_dma semaphore(%arg18 : memref<!tpu.dma_semaphore, #tpu.memory_space<semaphore_mem>>) src(%arg11 : memref<176x128xf32, #tpu.memory_space<vmem>>) dst(%dma_wait3A_178 : memref<10112x128xf32, #tpu.memory_space<vmem_shared>>)
      %add3A_179 = arith.constant 2 : i32
      %add3A_180 = arith.addi %mul3A_110, %add3A_179 : i32
      %lt3A_181 = arith.constant 58 : i32
      %lt3A_182 = arith.cmpi slt, %add3A_180, %lt3A_181 : i32
      %convert_element_type3A_183 = arith.extui %lt3A_182 : i1 to i32
      %cond3A_184 = arith.constant 0 : i32
      %cond3A_185 = arith.cmpi ne, %convert_element_type3A_183, %cond3A_184 : i32
      scf.if %cond3A_185 {
        %add3A_193 = arith.constant 2 : i32
        %add3A_194 = arith.addi %mul3A_110, %add3A_193 : i32
        %mul3A_195 = arith.constant 10000 : i32
        %mul3A_196 = arith.muli %add3A, %mul3A_195 : i32
        %mul3A_197 = arith.constant 176 : i32
        %mul3A_198 = arith.muli %add3A_194, %mul3A_197 : i32
        %add3A_199 = arith.addi %mul3A_196, %mul3A_198 : i32
        %min3A_200 = arith.constant 319824 : i32
        %min3A_201 = arith.minsi %add3A_199, %min3A_200 : i32
        %multiple_of3A_202 = tpu.assume_multiple %min3A_201, 8 : i32
        %dma_wait3A_203 = tpu.memref_slice %arg3[%multiple_of3A_202] : memref<640000xi32, #tpu.memory_space<hbm>> -> memref<176xi32, #tpu.memory_space<hbm>>
        %dma_wait3A_204 = tpu.memref_slice %arg3[%multiple_of3A_202] : memref<640000xi32, #tpu.memory_space<hbm>> -> memref<176xi32, #tpu.memory_space<hbm>>
        tpu.wait_dma2 semaphore(%arg14 : memref<!tpu.dma_semaphore, #tpu.memory_space<semaphore_mem>>) src(%dma_wait3A_204 : memref<176xi32, #tpu.memory_space<hbm>>) dst(%arg5 : memref<176xi32, #tpu.memory_space<vmem>>)
        %mul3A_205 = arith.constant 10000 : i32
        %mul3A_206 = arith.muli %add3A, %mul3A_205 : i32
        %mul3A_207 = arith.constant 176 : i32
        %mul3A_208 = arith.muli %add3A_194, %mul3A_207 : i32
        %add3A_209 = arith.addi %mul3A_206, %mul3A_208 : i32
        %min3A_210 = arith.constant 319824 : i32
        %min3A_211 = arith.minsi %add3A_209, %min3A_210 : i32
        %multiple_of3A_212 = tpu.assume_multiple %min3A_211, 8 : i32
        %add3A_213 = arith.constant 320000 : i32
        %add3A_214 = arith.addi %add3A_213, %multiple_of3A_212 : i32
        %dma_wait3A_215 = tpu.memref_slice %arg3[%add3A_214] : memref<640000xi32, #tpu.memory_space<hbm>> -> memref<176xi32, #tpu.memory_space<hbm>>
        %dma_wait3A_216 = tpu.memref_slice %arg3[%add3A_214] : memref<640000xi32, #tpu.memory_space<hbm>> -> memref<176xi32, #tpu.memory_space<hbm>>
        tpu.wait_dma2 semaphore(%arg14 : memref<!tpu.dma_semaphore, #tpu.memory_space<semaphore_mem>>) src(%dma_wait3A_216 : memref<176xi32, #tpu.memory_space<hbm>>) dst(%arg7 : memref<176xi32, #tpu.memory_space<vmem>>)
        %add3A_217 = arith.constant 2 : i32
        %add3A_218 = arith.addi %mul3A_110, %add3A_217 : i32
        %mul3A_219 = arith.constant 10000 : i32
        %mul3A_220 = arith.muli %add3A, %mul3A_219 : i32
        %mul3A_221 = arith.constant 176 : i32
        %mul3A_222 = arith.muli %add3A_218, %mul3A_221 : i32
        %add3A_223 = arith.addi %mul3A_220, %mul3A_222 : i32
        %min3A_224 = arith.constant 319824 : i32
        %min3A_225 = arith.minsi %add3A_223, %min3A_224 : i32
        %sub3A_226 = arith.subi %add3A_223, %min3A_225 : i32
        %scan3A_227 = arith.constant 0 : i32
        %scan3A_228 = arith.constant 0 : i32
        %scan3A_229 = arith.constant 11 : i32
        %scan3A_230 = arith.addi %scan3A_228, %scan3A_229 : i32
        %scan3A_231 = arith.constant 1 : i32
        scf.for %scan3A_236 = %scan3A_228 to %scan3A_230 step %scan3A_231  : i32 {
          %mul3A_237 = arith.constant 16 : i32
          %mul3A_238 = arith.muli %scan3A_236, %mul3A_237 : i32
          %get3A = arith.index_cast %mul3A_238 : i32 to index
          %get3A_239 = tpu.vector_load %arg7[%get3A] {strides = array<i32>} : memref<176xi32, #tpu.memory_space<vmem>>, vector<16xi32>,
          %get3A_240 = vector.shape_cast %get3A_239 : vector<16xi32> to vector<16xi32>
          %mul3A_241 = arith.constant 16 : i32
          %mul3A_242 = arith.muli %scan3A_236, %mul3A_241 : i32
          %add3A_243 = vector.broadcast %mul3A_242 : i32 to vector<16xi32>
          %add3A_244 = arith.addi %add3A_243, %iota3A_4 : vector<16xi32>
          %ge3A = vector.broadcast %sub3A_226 : i32 to vector<16xi32>
          %ge3A_245 = arith.cmpi sge, %add3A_244, %ge3A : vector<16xi32>
          %mul3A_246 = arith.constant 176 : i32
          %mul3A_247 = arith.muli %add3A_218, %mul3A_246 : i32
          %sub3A_248 = arith.subi %mul3A_247, %sub3A_226 : i32
          %add3A_249 = vector.broadcast %sub3A_248 : i32 to vector<16xi32>
          %add3A_250 = arith.addi %add3A_244, %add3A_249 : vector<16xi32>
          %lt3A_251 = arith.constant 10000 : i32
          %lt3A_252 = vector.broadcast %lt3A_251 : i32 to vector<16xi32>
          %lt3A_253 = arith.cmpi slt, %add3A_250, %lt3A_252 : vector<16xi32>
          %and3A = arith.andi %ge3A_245, %lt3A_253 : vector<16xi1>
          %select_n3A = arith.select %and3A, %get3A_240, %add3A_3 : vector<16xi1>, vector<16xi32>
          %mul3A_254 = arith.constant 16 : i32
          %mul3A_255 = arith.muli %scan3A_236, %mul3A_254 : i32
          %swap3A = arith.index_cast %mul3A_255 : i32 to index
          %swap3A_256 = tpu.vector_load %arg9[%swap3A] {strides = array<i32>} : memref<176xi32, #tpu.memory_space<vmem>>, vector<16xi32>,
          %swap3A_257 = vector.shape_cast %swap3A_256 : vector<16xi32> to vector<16xi32>
          %swap3A_258 = vector.shape_cast %select_n3A : vector<16xi32> to vector<16xi32>
          tpu.vector_store %arg9[%swap3A], %swap3A_258 {strides = array<i32>} : memref<176xi32, #tpu.memory_space<vmem>>, vector<16xi32>,
        }
        %scan3A_232 = arith.constant 11 : i32
        %dma_start3A_233 = arith.constant 0 : i32
        %dma_start3A_234 = arith.constant 0 : i32
        %dma_start3A_235 = tpu.memref_slice %arg2[%dma_start3A_233, %dma_start3A_234] : memref<10000x128xf32, #tpu.memory_space<hbm>> -> memref<10000x128xf32, #tpu.memory_space<hbm>>
        tpu.enqueue_indirect_dma source(%dma_start3A_235 : memref<10000x128xf32, #tpu.memory_space<hbm>>) target(%arg11 : memref<176x128xf32, #tpu.memory_space<vmem>>) offsets(%arg5 : memref<176xi32, #tpu.memory_space<vmem>>) semaphore(%arg16 : memref<!tpu.dma_semaphore, #tpu.memory_space<semaphore_mem>>)
      } else {
      }
      %add3A_186 = arith.constant 2 : i32
      %add3A_187 = arith.addi %add3A_114, %add3A_186 : i32
      %lt3A_188 = arith.constant 58 : i32
      %lt3A_189 = arith.cmpi slt, %add3A_187, %lt3A_188 : i32
      %convert_element_type3A_190 = arith.extui %lt3A_189 : i1 to i32
      %cond3A_191 = arith.constant 0 : i32
      %cond3A_192 = arith.cmpi ne, %convert_element_type3A_190, %cond3A_191 : i32
      scf.if %cond3A_192 {
        %add3A_193 = arith.constant 2 : i32
        %add3A_194 = arith.addi %add3A_114, %add3A_193 : i32
        %mul3A_195 = arith.constant 10000 : i32
        %mul3A_196 = arith.muli %add3A, %mul3A_195 : i32
        %mul3A_197 = arith.constant 176 : i32
        %mul3A_198 = arith.muli %add3A_194, %mul3A_197 : i32
        %add3A_199 = arith.addi %mul3A_196, %mul3A_198 : i32
        %min3A_200 = arith.constant 319824 : i32
        %min3A_201 = arith.minsi %add3A_199, %min3A_200 : i32
        %multiple_of3A_202 = tpu.assume_multiple %min3A_201, 8 : i32
        %dma_start3A_203 = tpu.memref_slice %arg3[%multiple_of3A_202] : memref<640000xi32, #tpu.memory_space<hbm>> -> memref<176xi32, #tpu.memory_space<hbm>>
        %dma_start3A_204 = tpu.memref_slice %arg3[%multiple_of3A_202] : memref<640000xi32, #tpu.memory_space<hbm>> -> memref<176xi32, #tpu.memory_space<hbm>>
        tpu.enqueue_dma source(%dma_start3A_204 : memref<176xi32, #tpu.memory_space<hbm>>) target(%arg6 : memref<176xi32, #tpu.memory_space<vmem>>) target_semaphore(%arg15 : memref<!tpu.dma_semaphore, #tpu.memory_space<semaphore_mem>>)
        %mul3A_205 = arith.constant 10000 : i32
        %mul3A_206 = arith.muli %add3A, %mul3A_205 : i32
        %mul3A_207 = arith.constant 176 : i32
        %mul3A_208 = arith.muli %add3A_194, %mul3A_207 : i32
        %add3A_209 = arith.addi %mul3A_206, %mul3A_208 : i32
        %min3A_210 = arith.constant 319824 : i32
        %min3A_211 = arith.minsi %add3A_209, %min3A_210 : i32
        %multiple_of3A_212 = tpu.assume_multiple %min3A_211, 8 : i32
        %add3A_213 = arith.constant 320000 : i32
        %add3A_214 = arith.addi %add3A_213, %multiple_of3A_212 : i32
        %dma_start3A_215 = tpu.memref_slice %arg3[%add3A_214] : memref<640000xi32, #tpu.memory_space<hbm>> -> memref<176xi32, #tpu.memory_space<hbm>>
        %dma_start3A_216 = tpu.memref_slice %arg3[%add3A_214] : memref<640000xi32, #tpu.memory_space<hbm>> -> memref<176xi32, #tpu.memory_space<hbm>>
        tpu.enqueue_dma source(%dma_start3A_216 : memref<176xi32, #tpu.memory_space<hbm>>) target(%arg8 : memref<176xi32, #tpu.memory_space<vmem>>) target_semaphore(%arg15 : memref<!tpu.dma_semaphore, #tpu.memory_space<semaphore_mem>>)
      } else {
      }
    }
    %scan3A_98 = arith.constant 29 : i32
    %dma_wait3A_99 = arith.constant 0 : i32
    %dma_wait3A_100 = arith.constant 0 : i32
    %dma_wait3A_101 = tpu.memref_slice %arg13[%dma_wait3A_99, %dma_wait3A_100] : memref<10112x128xf32, #tpu.memory_space<vmem_shared>> -> memref<10112x128xf32, #tpu.memory_space<vmem_shared>>
    tpu.wait_indirect_dma semaphore(%arg19 : memref<!tpu.dma_semaphore, #tpu.memory_space<semaphore_mem>>) src(%arg12 : memref<176x128xf32, #tpu.memory_space<vmem>>) dst(%dma_wait3A_101 : memref<10112x128xf32, #tpu.memory_space<vmem_shared>>)
    %barrier3A_102 = arith.constant 0 : index
    tpu.barrier barrier_id(%barrier3A_102)
    %mul3A_103 = arith.constant 624 : i32
    %mul3A_104 = arith.muli %arg1, %mul3A_103 : i32
    %multiple_of3A_105 = tpu.assume_multiple %mul3A_104, 8 : i32
    "tpu.region"() ({
      %run_scoped3A = tpu.sem_alloc : memref<!tpu.dma_semaphore, #tpu.memory_space<semaphore_mem>>
      %dma_start3A_108 = arith.constant 0 : i32
      %dma_start3A_109 = tpu.memref_slice %arg4[%arg0, %multiple_of3A_105, %dma_start3A_108] : memref<2x10000x128xf32, #tpu.memory_space<hbm>> -> memref<1x624x128xf32, #tpu.memory_space<hbm>>
      %dma_start3A_110 = tpu.memref_squeeze %dma_start3A_109 : memref<1x624x128xf32, #tpu.memory_space<hbm>> -> memref<624x128xf32, #tpu.memory_space<hbm>>
      %dma_start3A_111 = arith.constant 0 : i32
      %dma_start3A_112 = tpu.memref_slice %arg13[%multiple_of3A_105, %dma_start3A_111] : memref<10112x128xf32, #tpu.memory_space<vmem_shared>> -> memref<624x128xf32, #tpu.memory_space<vmem_shared>>
      tpu.enqueue_dma source(%dma_start3A_112 : memref<624x128xf32, #tpu.memory_space<vmem_shared>>) target(%dma_start3A_110 : memref<624x128xf32, #tpu.memory_space<hbm>>) target_semaphore(%run_scoped3A : memref<!tpu.dma_semaphore, #tpu.memory_space<semaphore_mem>>)
      %dma_wait3A_113 = arith.constant 0 : i32
      %dma_wait3A_114 = tpu.memref_slice %arg4[%arg0, %multiple_of3A_105, %dma_wait3A_113] : memref<2x10000x128xf32, #tpu.memory_space<hbm>> -> memref<1x624x128xf32, #tpu.memory_space<hbm>>
      %dma_wait3A_115 = tpu.memref_squeeze %dma_wait3A_114 : memref<1x624x128xf32, #tpu.memory_space<hbm>> -> memref<624x128xf32, #tpu.memory_space<hbm>>
      %dma_wait3A_116 = arith.constant 0 : i32
      %dma_wait3A_117 = tpu.memref_slice %arg13[%multiple_of3A_105, %dma_wait3A_116] : memref<10112x128xf32, #tpu.memory_space<vmem_shared>> -> memref<624x128xf32, #tpu.memory_space<vmem_shared>>
      tpu.wait_dma2 semaphore(%run_scoped3A : memref<!tpu.dma_semaphore, #tpu.memory_space<semaphore_mem>>) src(%dma_wait3A_117 : memref<624x128xf32, #tpu.memory_space<vmem_shared>>) dst(%dma_wait3A_115 : memref<624x128xf32, #tpu.memory_space<hbm>>)
      tpu.yield
    }) : () -> ()
    %eq3A = arith.constant 0 : i32
    %eq3A_106 = arith.cmpi eq, %arg1, %eq3A : i32
    %convert_element_type3A = arith.extui %eq3A_106 : i1 to i32
    %cond3A = arith.constant 0 : i32
    %cond3A_107 = arith.cmpi ne, %convert_element_type3A, %cond3A : i32
    scf.if %cond3A_107 {
      "tpu.region"() ({
        %run_scoped3A = tpu.sem_alloc : memref<!tpu.dma_semaphore, #tpu.memory_space<semaphore_mem>>
        %dma_start3A_108 = arith.constant 9984 : i32
        %dma_start3A_109 = arith.constant 0 : i32
        %dma_start3A_110 = tpu.memref_slice %arg4[%arg0, %dma_start3A_108, %dma_start3A_109] : memref<2x10000x128xf32, #tpu.memory_space<hbm>> -> memref<1x16x128xf32, #tpu.memory_space<hbm>>
        %dma_start3A_111 = tpu.memref_squeeze %dma_start3A_110 : memref<1x16x128xf32, #tpu.memory_space<hbm>> -> memref<16x128xf32, #tpu.memory_space<hbm>>
        %dma_start3A_112 = arith.constant 9984 : i32
        %dma_start3A_113 = arith.constant 0 : i32
        %dma_start3A_114 = tpu.memref_slice %arg13[%dma_start3A_112, %dma_start3A_113] : memref<10112x128xf32, #tpu.memory_space<vmem_shared>> -> memref<16x128xf32, #tpu.memory_space<vmem_shared>>
        tpu.enqueue_dma source(%dma_start3A_114 : memref<16x128xf32, #tpu.memory_space<vmem_shared>>) target(%dma_start3A_111 : memref<16x128xf32, #tpu.memory_space<hbm>>) target_semaphore(%run_scoped3A : memref<!tpu.dma_semaphore, #tpu.memory_space<semaphore_mem>>)
        %dma_wait3A_115 = arith.constant 9984 : i32
        %dma_wait3A_116 = arith.constant 0 : i32
        %dma_wait3A_117 = tpu.memref_slice %arg4[%arg0, %dma_wait3A_115, %dma_wait3A_116] : memref<2x10000x128xf32, #tpu.memory_space<hbm>> -> memref<1x16x128xf32, #tpu.memory_space<hbm>>
        %dma_wait3A_118 = tpu.memref_squeeze %dma_wait3A_117 : memref<1x16x128xf32, #tpu.memory_space<hbm>> -> memref<16x128xf32, #tpu.memory_space<hbm>>
        %dma_wait3A_119 = arith.constant 9984 : i32
        %dma_wait3A_120 = arith.constant 0 : i32
        %dma_wait3A_121 = tpu.memref_slice %arg13[%dma_wait3A_119, %dma_wait3A_120] : memref<10112x128xf32, #tpu.memory_space<vmem_shared>> -> memref<16x128xf32, #tpu.memory_space<vmem_shared>>
        tpu.wait_dma2 semaphore(%run_scoped3A : memref<!tpu.dma_semaphore, #tpu.memory_space<semaphore_mem>>) src(%dma_wait3A_121 : memref<16x128xf32, #tpu.memory_space<vmem_shared>>) dst(%dma_wait3A_118 : memref<16x128xf32, #tpu.memory_space<hbm>>)
        tpu.yield
      }) : () -> ()
    } else {
    }
    return
  }
}

#map = affine_map<(d0, d1) -> (0, 0)>
#map1 = affine_map<(d0, d1) -> (0)>
#map2 = affine_map<(d0, d1) -> (0, 0, 0)>
module attributes {stable_mosaic.version = 14 : i64} {
  func.func @body(%arg0: i32, %arg1: i32, %arg2: memref<10000x128xf32, #tpu.memory_space<hbm>>, %arg3: memref<640000xi32, #tpu.memory_space<hbm>>, %arg4: memref<2x10000x128xf32, #tpu.memory_space<hbm>>, %arg5: memref<2x10112xf32, #tpu.memory_space<hbm>>, %arg6: memref<176xi32, #tpu.memory_space<vmem>>, %arg7: memref<176xi32, #tpu.memory_space<vmem>>, %arg8: memref<176xi32, #tpu.memory_space<vmem>>, %arg9: memref<176xi32, #tpu.memory_space<vmem>>, %arg10: memref<176xi32, #tpu.memory_space<vmem>>, %arg11: memref<176xi32, #tpu.memory_space<vmem>>, %arg12: memref<176x128xf32, #tpu.memory_space<vmem>>, %arg13: memref<176x128xf32, #tpu.memory_space<vmem>>, %arg14: memref<10112x128xf32, #tpu.memory_space<vmem_shared>>, %arg15: memref<!tpu.dma_semaphore, #tpu.memory_space<semaphore_mem>>, %arg16: memref<!tpu.dma_semaphore, #tpu.memory_space<semaphore_mem>>, %arg17: memref<!tpu.dma_semaphore, #tpu.memory_space<semaphore_mem>>, %arg18: memref<!tpu.dma_semaphore, #tpu.memory_space<semaphore_mem>>, %arg19: memref<!tpu.dma_semaphore, #tpu.memory_space<semaphore_mem>>, %arg20: memref<!tpu.dma_semaphore, #tpu.memory_space<semaphore_mem>>, %arg21: memref<176xf32, #tpu.memory_space<vmem>>, %arg22: memref<640xf32, #tpu.memory_space<vmem>>, %arg23: memref<10112xf32, #tpu.memory_space<vmem_shared>>) attributes {dimension_semantics = [#tpu.dimension_semantics<core_parallel>, #tpu.dimension_semantics<subcore_parallel>], iteration_bounds = array<i64: 2, 16>, scalar_prefetch = 0 : i64, scratch_operands = 18 : i64, tpu.core_type = #tpu.core_type<sc_vector_subcore>, window_params = [{transform_indices = #map}, {transform_indices = #map1}, {transform_indices = #map2}, {transform_indices = #map}]} {
    %mul3A = arith.constant 2 : i32
    %mul3A_0 = arith.muli %arg1, %mul3A : i32
    %add3A = arith.addi %mul3A_0, %arg0 : i32
    %iota3A = tpu.iota {dimensions = array<i32: 0>} : vector<16xi32>
    %add3A_1 = arith.constant 10000 : i32
    %add3A_2 = vector.broadcast %add3A_1 : i32 to vector<16xi32>
    %add3A_3 = arith.addi %add3A_2, %iota3A : vector<16xi32>
    %iota3A_4 = tpu.iota {dimensions = array<i32: 0>} : vector<16xi32>
    %mul3A_5 = arith.constant 10000 : i32
    %mul3A_6 = arith.muli %add3A, %mul3A_5 : i32
    %add3A_7 = arith.constant 0 : i32
    %add3A_8 = arith.addi %mul3A_6, %add3A_7 : i32
    %min3A = arith.constant 319824 : i32
    %min3A_9 = arith.minsi %add3A_8, %min3A : i32
    %multiple_of3A = tpu.assume_multiple %min3A_9, 8 : i32
    %dma_start3A = tpu.memref_slice %arg3[%multiple_of3A] : memref<640000xi32, #tpu.memory_space<hbm>> -> memref<176xi32, #tpu.memory_space<hbm>>
    %dma_start3A_10 = tpu.memref_slice %arg3[%multiple_of3A] : memref<640000xi32, #tpu.memory_space<hbm>> -> memref<176xi32, #tpu.memory_space<hbm>>
    tpu.enqueue_dma source(%dma_start3A_10 : memref<176xi32, #tpu.memory_space<hbm>>) target(%arg6 : memref<176xi32, #tpu.memory_space<vmem>>) target_semaphore(%arg15 : memref<!tpu.dma_semaphore, #tpu.memory_space<semaphore_mem>>)
    %mul3A_11 = arith.constant 10000 : i32
    %mul3A_12 = arith.muli %add3A, %mul3A_11 : i32
    %add3A_13 = arith.constant 0 : i32
    %add3A_14 = arith.addi %mul3A_12, %add3A_13 : i32
    %min3A_15 = arith.constant 319824 : i32
    %min3A_16 = arith.minsi %add3A_14, %min3A_15 : i32
    %multiple_of3A_17 = tpu.assume_multiple %min3A_16, 8 : i32
    %add3A_18 = arith.constant 320000 : i32
    %add3A_19 = arith.addi %add3A_18, %multiple_of3A_17 : i32
    %dma_start3A_20 = tpu.memref_slice %arg3[%add3A_19] : memref<640000xi32, #tpu.memory_space<hbm>> -> memref<176xi32, #tpu.memory_space<hbm>>
    %dma_start3A_21 = tpu.memref_slice %arg3[%add3A_19] : memref<640000xi32, #tpu.memory_space<hbm>> -> memref<176xi32, #tpu.memory_space<hbm>>
    tpu.enqueue_dma source(%dma_start3A_21 : memref<176xi32, #tpu.memory_space<hbm>>) target(%arg8 : memref<176xi32, #tpu.memory_space<vmem>>) target_semaphore(%arg15 : memref<!tpu.dma_semaphore, #tpu.memory_space<semaphore_mem>>)
    %mul3A_22 = arith.constant 10000 : i32
    %mul3A_23 = arith.muli %add3A, %mul3A_22 : i32
    %add3A_24 = arith.constant 176 : i32
    %add3A_25 = arith.addi %mul3A_23, %add3A_24 : i32
    %min3A_26 = arith.constant 319824 : i32
    %min3A_27 = arith.minsi %add3A_25, %min3A_26 : i32
    %multiple_of3A_28 = tpu.assume_multiple %min3A_27, 8 : i32
    %dma_start3A_29 = tpu.memref_slice %arg3[%multiple_of3A_28] : memref<640000xi32, #tpu.memory_space<hbm>> -> memref<176xi32, #tpu.memory_space<hbm>>
    %dma_start3A_30 = tpu.memref_slice %arg3[%multiple_of3A_28] : memref<640000xi32, #tpu.memory_space<hbm>> -> memref<176xi32, #tpu.memory_space<hbm>>
    tpu.enqueue_dma source(%dma_start3A_30 : memref<176xi32, #tpu.memory_space<hbm>>) target(%arg7 : memref<176xi32, #tpu.memory_space<vmem>>) target_semaphore(%arg16 : memref<!tpu.dma_semaphore, #tpu.memory_space<semaphore_mem>>)
    %mul3A_31 = arith.constant 10000 : i32
    %mul3A_32 = arith.muli %add3A, %mul3A_31 : i32
    %add3A_33 = arith.constant 176 : i32
    %add3A_34 = arith.addi %mul3A_32, %add3A_33 : i32
    %min3A_35 = arith.constant 319824 : i32
    %min3A_36 = arith.minsi %add3A_34, %min3A_35 : i32
    %multiple_of3A_37 = tpu.assume_multiple %min3A_36, 8 : i32
    %add3A_38 = arith.constant 320000 : i32
    %add3A_39 = arith.addi %add3A_38, %multiple_of3A_37 : i32
    %dma_start3A_40 = tpu.memref_slice %arg3[%add3A_39] : memref<640000xi32, #tpu.memory_space<hbm>> -> memref<176xi32, #tpu.memory_space<hbm>>
    %dma_start3A_41 = tpu.memref_slice %arg3[%add3A_39] : memref<640000xi32, #tpu.memory_space<hbm>> -> memref<176xi32, #tpu.memory_space<hbm>>
    tpu.enqueue_dma source(%dma_start3A_41 : memref<176xi32, #tpu.memory_space<hbm>>) target(%arg9 : memref<176xi32, #tpu.memory_space<vmem>>) target_semaphore(%arg16 : memref<!tpu.dma_semaphore, #tpu.memory_space<semaphore_mem>>)
    %broadcast_in_dim3A = arith.constant 0.000000e+00 : f32
    %broadcast_in_dim3A_42 = vector.broadcast %broadcast_in_dim3A : f32 to vector<16xf32>
    %scan3A = arith.constant 0 : i32
    %scan3A_43 = arith.constant 0 : i32
    %scan3A_44 = arith.constant 176 : i32
    %scan3A_45 = arith.addi %scan3A_43, %scan3A_44 : i32
    %scan3A_46 = arith.constant 1 : i32
    scf.for %scan3A_124 = %scan3A_43 to %scan3A_45 step %scan3A_46  : i32 {
      %swap3A = arith.index_cast %scan3A_124 : i32 to index
      %swap3A_125 = arith.constant 0 : index
      %swap3A_126 = tpu.vector_load %arg12[%swap3A, %swap3A_125] {strides = array<i32>} : memref<176x128xf32, #tpu.memory_space<vmem>>, vector<1x16xf32>,
      %swap3A_127 = vector.shape_cast %swap3A_126 : vector<1x16xf32> to vector<16xf32>
      %swap3A_128 = vector.shape_cast %broadcast_in_dim3A_42 : vector<16xf32> to vector<1x16xf32>
      tpu.vector_store %arg12[%swap3A, %swap3A_125], %swap3A_128 {strides = array<i32>} : memref<176x128xf32, #tpu.memory_space<vmem>>, vector<1x16xf32>,
      %swap3A_129 = arith.index_cast %scan3A_124 : i32 to index
      %swap3A_130 = arith.constant 16 : index
      %swap3A_131 = tpu.vector_load %arg12[%swap3A_129, %swap3A_130] {strides = array<i32>} : memref<176x128xf32, #tpu.memory_space<vmem>>, vector<1x16xf32>,
      %swap3A_132 = vector.shape_cast %swap3A_131 : vector<1x16xf32> to vector<16xf32>
      %swap3A_133 = vector.shape_cast %broadcast_in_dim3A_42 : vector<16xf32> to vector<1x16xf32>
      tpu.vector_store %arg12[%swap3A_129, %swap3A_130], %swap3A_133 {strides = array<i32>} : memref<176x128xf32, #tpu.memory_space<vmem>>, vector<1x16xf32>,
      %swap3A_134 = arith.index_cast %scan3A_124 : i32 to index
      %swap3A_135 = arith.constant 32 : index
      %swap3A_136 = tpu.vector_load %arg12[%swap3A_134, %swap3A_135] {strides = array<i32>} : memref<176x128xf32, #tpu.memory_space<vmem>>, vector<1x16xf32>,
      %swap3A_137 = vector.shape_cast %swap3A_136 : vector<1x16xf32> to vector<16xf32>
      %swap3A_138 = vector.shape_cast %broadcast_in_dim3A_42 : vector<16xf32> to vector<1x16xf32>
      tpu.vector_store %arg12[%swap3A_134, %swap3A_135], %swap3A_138 {strides = array<i32>} : memref<176x128xf32, #tpu.memory_space<vmem>>, vector<1x16xf32>,
      %swap3A_139 = arith.index_cast %scan3A_124 : i32 to index
      %swap3A_140 = arith.constant 48 : index
      %swap3A_141 = tpu.vector_load %arg12[%swap3A_139, %swap3A_140] {strides = array<i32>} : memref<176x128xf32, #tpu.memory_space<vmem>>, vector<1x16xf32>,
      %swap3A_142 = vector.shape_cast %swap3A_141 : vector<1x16xf32> to vector<16xf32>
      %swap3A_143 = vector.shape_cast %broadcast_in_dim3A_42 : vector<16xf32> to vector<1x16xf32>
      tpu.vector_store %arg12[%swap3A_139, %swap3A_140], %swap3A_143 {strides = array<i32>} : memref<176x128xf32, #tpu.memory_space<vmem>>, vector<1x16xf32>,
      %swap3A_144 = arith.index_cast %scan3A_124 : i32 to index
      %swap3A_145 = arith.constant 64 : index
      %swap3A_146 = tpu.vector_load %arg12[%swap3A_144, %swap3A_145] {strides = array<i32>} : memref<176x128xf32, #tpu.memory_space<vmem>>, vector<1x16xf32>,
      %swap3A_147 = vector.shape_cast %swap3A_146 : vector<1x16xf32> to vector<16xf32>
      %swap3A_148 = vector.shape_cast %broadcast_in_dim3A_42 : vector<16xf32> to vector<1x16xf32>
      tpu.vector_store %arg12[%swap3A_144, %swap3A_145], %swap3A_148 {strides = array<i32>} : memref<176x128xf32, #tpu.memory_space<vmem>>, vector<1x16xf32>,
      %swap3A_149 = arith.index_cast %scan3A_124 : i32 to index
      %swap3A_150 = arith.constant 80 : index
      %swap3A_151 = tpu.vector_load %arg12[%swap3A_149, %swap3A_150] {strides = array<i32>} : memref<176x128xf32, #tpu.memory_space<vmem>>, vector<1x16xf32>,
      %swap3A_152 = vector.shape_cast %swap3A_151 : vector<1x16xf32> to vector<16xf32>
      %swap3A_153 = vector.shape_cast %broadcast_in_dim3A_42 : vector<16xf32> to vector<1x16xf32>
      tpu.vector_store %arg12[%swap3A_149, %swap3A_150], %swap3A_153 {strides = array<i32>} : memref<176x128xf32, #tpu.memory_space<vmem>>, vector<1x16xf32>,
      %swap3A_154 = arith.index_cast %scan3A_124 : i32 to index
      %swap3A_155 = arith.constant 96 : index
      %swap3A_156 = tpu.vector_load %arg12[%swap3A_154, %swap3A_155] {strides = array<i32>} : memref<176x128xf32, #tpu.memory_space<vmem>>, vector<1x16xf32>,
      %swap3A_157 = vector.shape_cast %swap3A_156 : vector<1x16xf32> to vector<16xf32>
      %swap3A_158 = vector.shape_cast %broadcast_in_dim3A_42 : vector<16xf32> to vector<1x16xf32>
      tpu.vector_store %arg12[%swap3A_154, %swap3A_155], %swap3A_158 {strides = array<i32>} : memref<176x128xf32, #tpu.memory_space<vmem>>, vector<1x16xf32>,
      %swap3A_159 = arith.index_cast %scan3A_124 : i32 to index
      %swap3A_160 = arith.constant 112 : index
      %swap3A_161 = tpu.vector_load %arg12[%swap3A_159, %swap3A_160] {strides = array<i32>} : memref<176x128xf32, #tpu.memory_space<vmem>>, vector<1x16xf32>,
      %swap3A_162 = vector.shape_cast %swap3A_161 : vector<1x16xf32> to vector<16xf32>
      %swap3A_163 = vector.shape_cast %broadcast_in_dim3A_42 : vector<16xf32> to vector<1x16xf32>
      tpu.vector_store %arg12[%swap3A_159, %swap3A_160], %swap3A_163 {strides = array<i32>} : memref<176x128xf32, #tpu.memory_space<vmem>>, vector<1x16xf32>,
    }
    %scan3A_47 = arith.constant 176 : i32
    %mul3A_48 = arith.constant 632 : i32
    %mul3A_49 = arith.muli %arg1, %mul3A_48 : i32
    %multiple_of3A_50 = tpu.assume_multiple %mul3A_49, 8 : i32
    %add3A_51 = arith.constant 0 : i32
    %add3A_52 = arith.addi %multiple_of3A_50, %add3A_51 : i32
    "tpu.region"() ({
      %run_scoped3A = tpu.sem_alloc : memref<!tpu.dma_semaphore, #tpu.memory_space<semaphore_mem>>
      %dma_start3A_124 = arith.constant 0 : i32
      %dma_start3A_125 = tpu.memref_slice %arg14[%add3A_52, %dma_start3A_124] : memref<10112x128xf32, #tpu.memory_space<vmem_shared>> -> memref<176x128xf32, #tpu.memory_space<vmem_shared>>
      %dma_start3A_126 = arith.constant 0 : i32
      %dma_start3A_127 = tpu.memref_slice %arg14[%add3A_52, %dma_start3A_126] : memref<10112x128xf32, #tpu.memory_space<vmem_shared>> -> memref<176x128xf32, #tpu.memory_space<vmem_shared>>
      tpu.enqueue_dma source(%arg12 : memref<176x128xf32, #tpu.memory_space<vmem>>) target(%dma_start3A_127 : memref<176x128xf32, #tpu.memory_space<vmem_shared>>) target_semaphore(%run_scoped3A : memref<!tpu.dma_semaphore, #tpu.memory_space<semaphore_mem>>)
      %dma_wait3A_128 = arith.constant 0 : i32
      %dma_wait3A_129 = tpu.memref_slice %arg14[%add3A_52, %dma_wait3A_128] : memref<10112x128xf32, #tpu.memory_space<vmem_shared>> -> memref<176x128xf32, #tpu.memory_space<vmem_shared>>
      %dma_wait3A_130 = arith.constant 0 : i32
      %dma_wait3A_131 = tpu.memref_slice %arg14[%add3A_52, %dma_wait3A_130] : memref<10112x128xf32, #tpu.memory_space<vmem_shared>> -> memref<176x128xf32, #tpu.memory_space<vmem_shared>>
      tpu.wait_dma2 semaphore(%run_scoped3A : memref<!tpu.dma_semaphore, #tpu.memory_space<semaphore_mem>>) src(%arg12 : memref<176x128xf32, #tpu.memory_space<vmem>>) dst(%dma_wait3A_131 : memref<176x128xf32, #tpu.memory_space<vmem_shared>>)
      tpu.yield
    }) : () -> ()
    %add3A_53 = arith.constant 176 : i32
    %add3A_54 = arith.addi %multiple_of3A_50, %add3A_53 : i32
    "tpu.region"() ({
      %run_scoped3A = tpu.sem_alloc : memref<!tpu.dma_semaphore, #tpu.memory_space<semaphore_mem>>
      %dma_start3A_124 = arith.constant 0 : i32
      %dma_start3A_125 = tpu.memref_slice %arg14[%add3A_54, %dma_start3A_124] : memref<10112x128xf32, #tpu.memory_space<vmem_shared>> -> memref<176x128xf32, #tpu.memory_space<vmem_shared>>
      %dma_start3A_126 = arith.constant 0 : i32
      %dma_start3A_127 = tpu.memref_slice %arg14[%add3A_54, %dma_start3A_126] : memref<10112x128xf32, #tpu.memory_space<vmem_shared>> -> memref<176x128xf32, #tpu.memory_space<vmem_shared>>
      tpu.enqueue_dma source(%arg12 : memref<176x128xf32, #tpu.memory_space<vmem>>) target(%dma_start3A_127 : memref<176x128xf32, #tpu.memory_space<vmem_shared>>) target_semaphore(%run_scoped3A : memref<!tpu.dma_semaphore, #tpu.memory_space<semaphore_mem>>)
      %dma_wait3A_128 = arith.constant 0 : i32
      %dma_wait3A_129 = tpu.memref_slice %arg14[%add3A_54, %dma_wait3A_128] : memref<10112x128xf32, #tpu.memory_space<vmem_shared>> -> memref<176x128xf32, #tpu.memory_space<vmem_shared>>
      %dma_wait3A_130 = arith.constant 0 : i32
      %dma_wait3A_131 = tpu.memref_slice %arg14[%add3A_54, %dma_wait3A_130] : memref<10112x128xf32, #tpu.memory_space<vmem_shared>> -> memref<176x128xf32, #tpu.memory_space<vmem_shared>>
      tpu.wait_dma2 semaphore(%run_scoped3A : memref<!tpu.dma_semaphore, #tpu.memory_space<semaphore_mem>>) src(%arg12 : memref<176x128xf32, #tpu.memory_space<vmem>>) dst(%dma_wait3A_131 : memref<176x128xf32, #tpu.memory_space<vmem_shared>>)
      tpu.yield
    }) : () -> ()
    %add3A_55 = arith.constant 352 : i32
    %add3A_56 = arith.addi %multiple_of3A_50, %add3A_55 : i32
    "tpu.region"() ({
      %run_scoped3A = tpu.sem_alloc : memref<!tpu.dma_semaphore, #tpu.memory_space<semaphore_mem>>
      %dma_start3A_124 = arith.constant 0 : i32
      %dma_start3A_125 = tpu.memref_slice %arg14[%add3A_56, %dma_start3A_124] : memref<10112x128xf32, #tpu.memory_space<vmem_shared>> -> memref<176x128xf32, #tpu.memory_space<vmem_shared>>
      %dma_start3A_126 = arith.constant 0 : i32
      %dma_start3A_127 = tpu.memref_slice %arg14[%add3A_56, %dma_start3A_126] : memref<10112x128xf32, #tpu.memory_space<vmem_shared>> -> memref<176x128xf32, #tpu.memory_space<vmem_shared>>
      tpu.enqueue_dma source(%arg12 : memref<176x128xf32, #tpu.memory_space<vmem>>) target(%dma_start3A_127 : memref<176x128xf32, #tpu.memory_space<vmem_shared>>) target_semaphore(%run_scoped3A : memref<!tpu.dma_semaphore, #tpu.memory_space<semaphore_mem>>)
      %dma_wait3A_128 = arith.constant 0 : i32
      %dma_wait3A_129 = tpu.memref_slice %arg14[%add3A_56, %dma_wait3A_128] : memref<10112x128xf32, #tpu.memory_space<vmem_shared>> -> memref<176x128xf32, #tpu.memory_space<vmem_shared>>
      %dma_wait3A_130 = arith.constant 0 : i32
      %dma_wait3A_131 = tpu.memref_slice %arg14[%add3A_56, %dma_wait3A_130] : memref<10112x128xf32, #tpu.memory_space<vmem_shared>> -> memref<176x128xf32, #tpu.memory_space<vmem_shared>>
      tpu.wait_dma2 semaphore(%run_scoped3A : memref<!tpu.dma_semaphore, #tpu.memory_space<semaphore_mem>>) src(%arg12 : memref<176x128xf32, #tpu.memory_space<vmem>>) dst(%dma_wait3A_131 : memref<176x128xf32, #tpu.memory_space<vmem_shared>>)
      tpu.yield
    }) : () -> ()
    %add3A_57 = arith.constant 528 : i32
    %add3A_58 = arith.addi %multiple_of3A_50, %add3A_57 : i32
    "tpu.region"() ({
      %run_scoped3A = tpu.sem_alloc : memref<!tpu.dma_semaphore, #tpu.memory_space<semaphore_mem>>
      %dma_start3A_124 = arith.constant 0 : i32
      %dma_start3A_125 = arith.constant 0 : i32
      %dma_start3A_126 = tpu.memref_slice %arg12[%dma_start3A_124, %dma_start3A_125] : memref<176x128xf32, #tpu.memory_space<vmem>> -> memref<104x128xf32, #tpu.memory_space<vmem>>
      %dma_start3A_127 = arith.constant 0 : i32
      %dma_start3A_128 = tpu.memref_slice %arg14[%add3A_58, %dma_start3A_127] : memref<10112x128xf32, #tpu.memory_space<vmem_shared>> -> memref<104x128xf32, #tpu.memory_space<vmem_shared>>
      %dma_start3A_129 = arith.constant 0 : i32
      %dma_start3A_130 = tpu.memref_slice %arg14[%add3A_58, %dma_start3A_129] : memref<10112x128xf32, #tpu.memory_space<vmem_shared>> -> memref<104x128xf32, #tpu.memory_space<vmem_shared>>
      %dma_start3A_131 = arith.constant 0 : i32
      %dma_start3A_132 = arith.constant 0 : i32
      %dma_start3A_133 = tpu.memref_slice %arg12[%dma_start3A_131, %dma_start3A_132] : memref<176x128xf32, #tpu.memory_space<vmem>> -> memref<104x128xf32, #tpu.memory_space<vmem>>
      tpu.enqueue_dma source(%dma_start3A_133 : memref<104x128xf32, #tpu.memory_space<vmem>>) target(%dma_start3A_130 : memref<104x128xf32, #tpu.memory_space<vmem_shared>>) target_semaphore(%run_scoped3A : memref<!tpu.dma_semaphore, #tpu.memory_space<semaphore_mem>>)
      %dma_wait3A_134 = arith.constant 0 : i32
      %dma_wait3A_135 = arith.constant 0 : i32
      %dma_wait3A_136 = tpu.memref_slice %arg12[%dma_wait3A_134, %dma_wait3A_135] : memref<176x128xf32, #tpu.memory_space<vmem>> -> memref<104x128xf32, #tpu.memory_space<vmem>>
      %dma_wait3A_137 = arith.constant 0 : i32
      %dma_wait3A_138 = tpu.memref_slice %arg14[%add3A_58, %dma_wait3A_137] : memref<10112x128xf32, #tpu.memory_space<vmem_shared>> -> memref<104x128xf32, #tpu.memory_space<vmem_shared>>
      %dma_wait3A_139 = arith.constant 0 : i32
      %dma_wait3A_140 = tpu.memref_slice %arg14[%add3A_58, %dma_wait3A_139] : memref<10112x128xf32, #tpu.memory_space<vmem_shared>> -> memref<104x128xf32, #tpu.memory_space<vmem_shared>>
      %dma_wait3A_141 = arith.constant 0 : i32
      %dma_wait3A_142 = arith.constant 0 : i32
      %dma_wait3A_143 = tpu.memref_slice %arg12[%dma_wait3A_141, %dma_wait3A_142] : memref<176x128xf32, #tpu.memory_space<vmem>> -> memref<104x128xf32, #tpu.memory_space<vmem>>
      tpu.wait_dma2 semaphore(%run_scoped3A : memref<!tpu.dma_semaphore, #tpu.memory_space<semaphore_mem>>) src(%dma_wait3A_143 : memref<104x128xf32, #tpu.memory_space<vmem>>) dst(%dma_wait3A_140 : memref<104x128xf32, #tpu.memory_space<vmem_shared>>)
      tpu.yield
    }) : () -> ()
    %broadcast_in_dim3A_59 = arith.constant 1.000000e+00 : f32
    %broadcast_in_dim3A_60 = vector.broadcast %broadcast_in_dim3A_59 : f32 to vector<16xf32>
    %scan3A_61 = arith.constant 0 : i32
    %scan3A_62 = arith.constant 0 : i32
    %scan3A_63 = arith.constant 11 : i32
    %scan3A_64 = arith.addi %scan3A_62, %scan3A_63 : i32
    %scan3A_65 = arith.constant 1 : i32
    scf.for %scan3A_124 = %scan3A_62 to %scan3A_64 step %scan3A_65  : i32 {
      %mul3A_125 = arith.constant 16 : i32
      %mul3A_126 = arith.muli %scan3A_124, %mul3A_125 : i32
      %swap3A = arith.index_cast %mul3A_126 : i32 to index
      %swap3A_127 = tpu.vector_load %arg21[%swap3A] {strides = array<i32>} : memref<176xf32, #tpu.memory_space<vmem>>, vector<16xf32>,
      %swap3A_128 = vector.shape_cast %swap3A_127 : vector<16xf32> to vector<16xf32>
      %swap3A_129 = vector.shape_cast %broadcast_in_dim3A_60 : vector<16xf32> to vector<16xf32>
      tpu.vector_store %arg21[%swap3A], %swap3A_129 {strides = array<i32>} : memref<176xf32, #tpu.memory_space<vmem>>, vector<16xf32>,
    }
    %scan3A_66 = arith.constant 11 : i32
    %scan3A_67 = arith.constant 0 : i32
    %scan3A_68 = arith.constant 0 : i32
    %scan3A_69 = arith.constant 40 : i32
    %scan3A_70 = arith.addi %scan3A_68, %scan3A_69 : i32
    %scan3A_71 = arith.constant 1 : i32
    scf.for %scan3A_124 = %scan3A_68 to %scan3A_70 step %scan3A_71  : i32 {
      %mul3A_125 = arith.constant 16 : i32
      %mul3A_126 = arith.muli %scan3A_124, %mul3A_125 : i32
      %swap3A = arith.index_cast %mul3A_126 : i32 to index
      %swap3A_127 = tpu.vector_load %arg22[%swap3A] {strides = array<i32>} : memref<640xf32, #tpu.memory_space<vmem>>, vector<16xf32>,
      %swap3A_128 = vector.shape_cast %swap3A_127 : vector<16xf32> to vector<16xf32>
      %swap3A_129 = vector.shape_cast %broadcast_in_dim3A_42 : vector<16xf32> to vector<16xf32>
      tpu.vector_store %arg22[%swap3A], %swap3A_129 {strides = array<i32>} : memref<640xf32, #tpu.memory_space<vmem>>, vector<16xf32>,
    }
    %scan3A_72 = arith.constant 40 : i32
    "tpu.region"() ({
      %run_scoped3A = tpu.sem_alloc : memref<!tpu.dma_semaphore, #tpu.memory_space<semaphore_mem>>
      %dma_start3A_124 = arith.constant 0 : i32
      %dma_start3A_125 = tpu.memref_slice %arg22[%dma_start3A_124] : memref<640xf32, #tpu.memory_space<vmem>> -> memref<632xf32, #tpu.memory_space<vmem>>
      %dma_start3A_126 = tpu.memref_slice %arg23[%multiple_of3A_50] : memref<10112xf32, #tpu.memory_space<vmem_shared>> -> memref<632xf32, #tpu.memory_space<vmem_shared>>
      %dma_start3A_127 = tpu.memref_slice %arg23[%multiple_of3A_50] : memref<10112xf32, #tpu.memory_space<vmem_shared>> -> memref<632xf32, #tpu.memory_space<vmem_shared>>
      %dma_start3A_128 = arith.constant 0 : i32
      %dma_start3A_129 = tpu.memref_slice %arg22[%dma_start3A_128] : memref<640xf32, #tpu.memory_space<vmem>> -> memref<632xf32, #tpu.memory_space<vmem>>
      tpu.enqueue_dma source(%dma_start3A_129 : memref<632xf32, #tpu.memory_space<vmem>>) target(%dma_start3A_127 : memref<632xf32, #tpu.memory_space<vmem_shared>>) target_semaphore(%run_scoped3A : memref<!tpu.dma_semaphore, #tpu.memory_space<semaphore_mem>>)
      %dma_wait3A_130 = arith.constant 0 : i32
      %dma_wait3A_131 = tpu.memref_slice %arg22[%dma_wait3A_130] : memref<640xf32, #tpu.memory_space<vmem>> -> memref<632xf32, #tpu.memory_space<vmem>>
      %dma_wait3A_132 = tpu.memref_slice %arg23[%multiple_of3A_50] : memref<10112xf32, #tpu.memory_space<vmem_shared>> -> memref<632xf32, #tpu.memory_space<vmem_shared>>
      %dma_wait3A_133 = tpu.memref_slice %arg23[%multiple_of3A_50] : memref<10112xf32, #tpu.memory_space<vmem_shared>> -> memref<632xf32, #tpu.memory_space<vmem_shared>>
      %dma_wait3A_134 = arith.constant 0 : i32
      %dma_wait3A_135 = tpu.memref_slice %arg22[%dma_wait3A_134] : memref<640xf32, #tpu.memory_space<vmem>> -> memref<632xf32, #tpu.memory_space<vmem>>
      tpu.wait_dma2 semaphore(%run_scoped3A : memref<!tpu.dma_semaphore, #tpu.memory_space<semaphore_mem>>) src(%dma_wait3A_135 : memref<632xf32, #tpu.memory_space<vmem>>) dst(%dma_wait3A_133 : memref<632xf32, #tpu.memory_space<vmem_shared>>)
      tpu.yield
    }) : () -> ()
    %barrier3A = arith.constant 0 : index
    tpu.barrier barrier_id(%barrier3A)
    %mul3A_73 = arith.constant 10000 : i32
    %mul3A_74 = arith.muli %add3A, %mul3A_73 : i32
    %add3A_75 = arith.constant 0 : i32
    %add3A_76 = arith.addi %mul3A_74, %add3A_75 : i32
    %min3A_77 = arith.constant 319824 : i32
    %min3A_78 = arith.minsi %add3A_76, %min3A_77 : i32
    %multiple_of3A_79 = tpu.assume_multiple %min3A_78, 8 : i32
    %dma_wait3A = tpu.memref_slice %arg3[%multiple_of3A_79] : memref<640000xi32, #tpu.memory_space<hbm>> -> memref<176xi32, #tpu.memory_space<hbm>>
    %dma_wait3A_80 = tpu.memref_slice %arg3[%multiple_of3A_79] : memref<640000xi32, #tpu.memory_space<hbm>> -> memref<176xi32, #tpu.memory_space<hbm>>
    tpu.wait_dma2 semaphore(%arg15 : memref<!tpu.dma_semaphore, #tpu.memory_space<semaphore_mem>>) src(%dma_wait3A_80 : memref<176xi32, #tpu.memory_space<hbm>>) dst(%arg6 : memref<176xi32, #tpu.memory_space<vmem>>)
    %mul3A_81 = arith.constant 10000 : i32
    %mul3A_82 = arith.muli %add3A, %mul3A_81 : i32
    %add3A_83 = arith.constant 0 : i32
    %add3A_84 = arith.addi %mul3A_82, %add3A_83 : i32
    %min3A_85 = arith.constant 319824 : i32
    %min3A_86 = arith.minsi %add3A_84, %min3A_85 : i32
    %multiple_of3A_87 = tpu.assume_multiple %min3A_86, 8 : i32
    %add3A_88 = arith.constant 320000 : i32
    %add3A_89 = arith.addi %add3A_88, %multiple_of3A_87 : i32
    %dma_wait3A_90 = tpu.memref_slice %arg3[%add3A_89] : memref<640000xi32, #tpu.memory_space<hbm>> -> memref<176xi32, #tpu.memory_space<hbm>>
    %dma_wait3A_91 = tpu.memref_slice %arg3[%add3A_89] : memref<640000xi32, #tpu.memory_space<hbm>> -> memref<176xi32, #tpu.memory_space<hbm>>
    tpu.wait_dma2 semaphore(%arg15 : memref<!tpu.dma_semaphore, #tpu.memory_space<semaphore_mem>>) src(%dma_wait3A_91 : memref<176xi32, #tpu.memory_space<hbm>>) dst(%arg8 : memref<176xi32, #tpu.memory_space<vmem>>)
    %mul3A_92 = arith.constant 10000 : i32
    %mul3A_93 = arith.muli %add3A, %mul3A_92 : i32
    %add3A_94 = arith.constant 0 : i32
    %add3A_95 = arith.addi %mul3A_93, %add3A_94 : i32
    %min3A_96 = arith.constant 319824 : i32
    %min3A_97 = arith.minsi %add3A_95, %min3A_96 : i32
    %sub3A = arith.subi %add3A_95, %min3A_97 : i32
    %scan3A_98 = arith.constant 0 : i32
    %scan3A_99 = arith.constant 0 : i32
    %scan3A_100 = arith.constant 11 : i32
    %scan3A_101 = arith.addi %scan3A_99, %scan3A_100 : i32
    %scan3A_102 = arith.constant 1 : i32
    scf.for %scan3A_124 = %scan3A_99 to %scan3A_101 step %scan3A_102  : i32 {
      %mul3A_125 = arith.constant 16 : i32
      %mul3A_126 = arith.muli %scan3A_124, %mul3A_125 : i32
      %get3A = arith.index_cast %mul3A_126 : i32 to index
      %get3A_127 = tpu.vector_load %arg8[%get3A] {strides = array<i32>} : memref<176xi32, #tpu.memory_space<vmem>>, vector<16xi32>,
      %get3A_128 = vector.shape_cast %get3A_127 : vector<16xi32> to vector<16xi32>
      %mul3A_129 = arith.constant 16 : i32
      %mul3A_130 = arith.muli %scan3A_124, %mul3A_129 : i32
      %add3A_131 = vector.broadcast %mul3A_130 : i32 to vector<16xi32>
      %add3A_132 = arith.addi %add3A_131, %iota3A_4 : vector<16xi32>
      %ge3A = vector.broadcast %sub3A : i32 to vector<16xi32>
      %ge3A_133 = arith.cmpi sge, %add3A_132, %ge3A : vector<16xi32>
      %sub3A_134 = arith.constant 0 : i32
      %sub3A_135 = arith.subi %sub3A_134, %sub3A : i32
      %add3A_136 = vector.broadcast %sub3A_135 : i32 to vector<16xi32>
      %add3A_137 = arith.addi %add3A_132, %add3A_136 : vector<16xi32>
      %lt3A = arith.constant 10000 : i32
      %lt3A_138 = vector.broadcast %lt3A : i32 to vector<16xi32>
      %lt3A_139 = arith.cmpi slt, %add3A_137, %lt3A_138 : vector<16xi32>
      %and3A = arith.andi %ge3A_133, %lt3A_139 : vector<16xi1>
      %select_n3A = arith.select %and3A, %get3A_128, %add3A_3 : vector<16xi1>, vector<16xi32>
      %mul3A_140 = arith.constant 16 : i32
      %mul3A_141 = arith.muli %scan3A_124, %mul3A_140 : i32
      %swap3A = arith.index_cast %mul3A_141 : i32 to index
      %swap3A_142 = tpu.vector_load %arg10[%swap3A] {strides = array<i32>} : memref<176xi32, #tpu.memory_space<vmem>>, vector<16xi32>,
      %swap3A_143 = vector.shape_cast %swap3A_142 : vector<16xi32> to vector<16xi32>
      %swap3A_144 = vector.shape_cast %select_n3A : vector<16xi32> to vector<16xi32>
      tpu.vector_store %arg10[%swap3A], %swap3A_144 {strides = array<i32>} : memref<176xi32, #tpu.memory_space<vmem>>, vector<16xi32>,
    }
    %scan3A_103 = arith.constant 11 : i32
    %dma_start3A_104 = arith.constant 0 : i32
    %dma_start3A_105 = arith.constant 0 : i32
    %dma_start3A_106 = tpu.memref_slice %arg2[%dma_start3A_104, %dma_start3A_105] : memref<10000x128xf32, #tpu.memory_space<hbm>> -> memref<10000x128xf32, #tpu.memory_space<hbm>>
    tpu.enqueue_indirect_dma source(%dma_start3A_106 : memref<10000x128xf32, #tpu.memory_space<hbm>>) target(%arg12 : memref<176x128xf32, #tpu.memory_space<vmem>>) offsets(%arg6 : memref<176xi32, #tpu.memory_space<vmem>>) semaphore(%arg17 : memref<!tpu.dma_semaphore, #tpu.memory_space<semaphore_mem>>)
    %scan3A_107 = arith.constant 0 : i32
    %scan3A_108 = arith.constant 0 : i32
    %scan3A_109 = arith.constant 29 : i32
    %scan3A_110 = arith.addi %scan3A_108, %scan3A_109 : i32
    %scan3A_111 = arith.constant 1 : i32
    scf.for %scan3A_124 = %scan3A_108 to %scan3A_110 step %scan3A_111  : i32 {
      %mul3A_125 = arith.constant 2 : i32
      %mul3A_126 = arith.muli %mul3A_125, %scan3A_124 : i32
      %mul3A_127 = arith.constant 2 : i32
      %mul3A_128 = arith.muli %mul3A_127, %scan3A_124 : i32
      %add3A_129 = arith.constant 1 : i32
      %add3A_130 = arith.addi %mul3A_128, %add3A_129 : i32
      %mul3A_131 = arith.constant 10000 : i32
      %mul3A_132 = arith.muli %add3A, %mul3A_131 : i32
      %mul3A_133 = arith.constant 176 : i32
      %mul3A_134 = arith.muli %add3A_130, %mul3A_133 : i32
      %add3A_135 = arith.addi %mul3A_132, %mul3A_134 : i32
      %min3A_136 = arith.constant 319824 : i32
      %min3A_137 = arith.minsi %add3A_135, %min3A_136 : i32
      %multiple_of3A_138 = tpu.assume_multiple %min3A_137, 8 : i32
      %dma_wait3A_139 = tpu.memref_slice %arg3[%multiple_of3A_138] : memref<640000xi32, #tpu.memory_space<hbm>> -> memref<176xi32, #tpu.memory_space<hbm>>
      %dma_wait3A_140 = tpu.memref_slice %arg3[%multiple_of3A_138] : memref<640000xi32, #tpu.memory_space<hbm>> -> memref<176xi32, #tpu.memory_space<hbm>>
      tpu.wait_dma2 semaphore(%arg16 : memref<!tpu.dma_semaphore, #tpu.memory_space<semaphore_mem>>) src(%dma_wait3A_140 : memref<176xi32, #tpu.memory_space<hbm>>) dst(%arg7 : memref<176xi32, #tpu.memory_space<vmem>>)
      %mul3A_141 = arith.constant 10000 : i32
      %mul3A_142 = arith.muli %add3A, %mul3A_141 : i32
      %mul3A_143 = arith.constant 176 : i32
      %mul3A_144 = arith.muli %add3A_130, %mul3A_143 : i32
      %add3A_145 = arith.addi %mul3A_142, %mul3A_144 : i32
      %min3A_146 = arith.constant 319824 : i32
      %min3A_147 = arith.minsi %add3A_145, %min3A_146 : i32
      %multiple_of3A_148 = tpu.assume_multiple %min3A_147, 8 : i32
      %add3A_149 = arith.constant 320000 : i32
      %add3A_150 = arith.addi %add3A_149, %multiple_of3A_148 : i32
      %dma_wait3A_151 = tpu.memref_slice %arg3[%add3A_150] : memref<640000xi32, #tpu.memory_space<hbm>> -> memref<176xi32, #tpu.memory_space<hbm>>
      %dma_wait3A_152 = tpu.memref_slice %arg3[%add3A_150] : memref<640000xi32, #tpu.memory_space<hbm>> -> memref<176xi32, #tpu.memory_space<hbm>>
      tpu.wait_dma2 semaphore(%arg16 : memref<!tpu.dma_semaphore, #tpu.memory_space<semaphore_mem>>) src(%dma_wait3A_152 : memref<176xi32, #tpu.memory_space<hbm>>) dst(%arg9 : memref<176xi32, #tpu.memory_space<vmem>>)
      %gt3A = arith.constant 0 : i32
      %gt3A_153 = arith.cmpi sgt, %scan3A_124, %gt3A : i32
      %convert_element_type3A_154 = arith.extui %gt3A_153 : i1 to i32
      %cond3A_155 = arith.constant 0 : i32
      %cond3A_156 = arith.cmpi ne, %convert_element_type3A_154, %cond3A_155 : i32
      scf.if %cond3A_156 {
        %dma_wait3A_215 = arith.constant 0 : i32
        %dma_wait3A_216 = arith.constant 0 : i32
        %dma_wait3A_217 = tpu.memref_slice %arg14[%dma_wait3A_215, %dma_wait3A_216] : memref<10112x128xf32, #tpu.memory_space<vmem_shared>> -> memref<10112x128xf32, #tpu.memory_space<vmem_shared>>
        tpu.wait_indirect_dma semaphore(%arg20 : memref<!tpu.dma_semaphore, #tpu.memory_space<semaphore_mem>>) src(%arg13 : memref<176x128xf32, #tpu.memory_space<vmem>>) dst(%dma_wait3A_217 : memref<10112x128xf32, #tpu.memory_space<vmem_shared>>)
        %dma_wait3A_218 = arith.constant 0 : i32
        %dma_wait3A_219 = tpu.memref_slice %arg23[%dma_wait3A_218] : memref<10112xf32, #tpu.memory_space<vmem_shared>> -> memref<10112xf32, #tpu.memory_space<vmem_shared>>
        tpu.wait_indirect_dma semaphore(%arg20 : memref<!tpu.dma_semaphore, #tpu.memory_space<semaphore_mem>>) src(%arg21 : memref<176xf32, #tpu.memory_space<vmem>>) dst(%dma_wait3A_219 : memref<10112xf32, #tpu.memory_space<vmem_shared>>)
      } else {
      }
      %mul3A_157 = arith.constant 10000 : i32
      %mul3A_158 = arith.muli %add3A, %mul3A_157 : i32
      %mul3A_159 = arith.constant 176 : i32
      %mul3A_160 = arith.muli %add3A_130, %mul3A_159 : i32
      %add3A_161 = arith.addi %mul3A_158, %mul3A_160 : i32
      %min3A_162 = arith.constant 319824 : i32
      %min3A_163 = arith.minsi %add3A_161, %min3A_162 : i32
      %sub3A_164 = arith.subi %add3A_161, %min3A_163 : i32
      %scan3A_165 = arith.constant 0 : i32
      %scan3A_166 = arith.constant 0 : i32
      %scan3A_167 = arith.constant 11 : i32
      %scan3A_168 = arith.addi %scan3A_166, %scan3A_167 : i32
      %scan3A_169 = arith.constant 1 : i32
      scf.for %scan3A_215 = %scan3A_166 to %scan3A_168 step %scan3A_169  : i32 {
        %mul3A_216 = arith.constant 16 : i32
        %mul3A_217 = arith.muli %scan3A_215, %mul3A_216 : i32
        %get3A = arith.index_cast %mul3A_217 : i32 to index
        %get3A_218 = tpu.vector_load %arg9[%get3A] {strides = array<i32>} : memref<176xi32, #tpu.memory_space<vmem>>, vector<16xi32>,
        %get3A_219 = vector.shape_cast %get3A_218 : vector<16xi32> to vector<16xi32>
        %mul3A_220 = arith.constant 16 : i32
        %mul3A_221 = arith.muli %scan3A_215, %mul3A_220 : i32
        %add3A_222 = vector.broadcast %mul3A_221 : i32 to vector<16xi32>
        %add3A_223 = arith.addi %add3A_222, %iota3A_4 : vector<16xi32>
        %ge3A = vector.broadcast %sub3A_164 : i32 to vector<16xi32>
        %ge3A_224 = arith.cmpi sge, %add3A_223, %ge3A : vector<16xi32>
        %mul3A_225 = arith.constant 176 : i32
        %mul3A_226 = arith.muli %add3A_130, %mul3A_225 : i32
        %sub3A_227 = arith.subi %mul3A_226, %sub3A_164 : i32
        %add3A_228 = vector.broadcast %sub3A_227 : i32 to vector<16xi32>
        %add3A_229 = arith.addi %add3A_223, %add3A_228 : vector<16xi32>
        %lt3A_230 = arith.constant 10000 : i32
        %lt3A_231 = vector.broadcast %lt3A_230 : i32 to vector<16xi32>
        %lt3A_232 = arith.cmpi slt, %add3A_229, %lt3A_231 : vector<16xi32>
        %and3A = arith.andi %ge3A_224, %lt3A_232 : vector<16xi1>
        %select_n3A = arith.select %and3A, %get3A_219, %add3A_3 : vector<16xi1>, vector<16xi32>
        %mul3A_233 = arith.constant 16 : i32
        %mul3A_234 = arith.muli %scan3A_215, %mul3A_233 : i32
        %swap3A = arith.index_cast %mul3A_234 : i32 to index
        %swap3A_235 = tpu.vector_load %arg11[%swap3A] {strides = array<i32>} : memref<176xi32, #tpu.memory_space<vmem>>, vector<16xi32>,
        %swap3A_236 = vector.shape_cast %swap3A_235 : vector<16xi32> to vector<16xi32>
        %swap3A_237 = vector.shape_cast %select_n3A : vector<16xi32> to vector<16xi32>
        tpu.vector_store %arg11[%swap3A], %swap3A_237 {strides = array<i32>} : memref<176xi32, #tpu.memory_space<vmem>>, vector<16xi32>,
      }
      %scan3A_170 = arith.constant 11 : i32
      %dma_wait3A_171 = arith.constant 0 : i32
      %dma_wait3A_172 = arith.constant 0 : i32
      %dma_wait3A_173 = tpu.memref_slice %arg2[%dma_wait3A_171, %dma_wait3A_172] : memref<10000x128xf32, #tpu.memory_space<hbm>> -> memref<10000x128xf32, #tpu.memory_space<hbm>>
      tpu.wait_indirect_dma semaphore(%arg17 : memref<!tpu.dma_semaphore, #tpu.memory_space<semaphore_mem>>) src(%dma_wait3A_173 : memref<10000x128xf32, #tpu.memory_space<hbm>>) dst(%arg12 : memref<176x128xf32, #tpu.memory_space<vmem>>)
      %dma_start3A_174 = arith.constant 0 : i32
      %dma_start3A_175 = arith.constant 0 : i32
      %dma_start3A_176 = tpu.memref_slice %arg2[%dma_start3A_174, %dma_start3A_175] : memref<10000x128xf32, #tpu.memory_space<hbm>> -> memref<10000x128xf32, #tpu.memory_space<hbm>>
      tpu.enqueue_indirect_dma source(%dma_start3A_176 : memref<10000x128xf32, #tpu.memory_space<hbm>>) target(%arg13 : memref<176x128xf32, #tpu.memory_space<vmem>>) offsets(%arg7 : memref<176xi32, #tpu.memory_space<vmem>>) semaphore(%arg18 : memref<!tpu.dma_semaphore, #tpu.memory_space<semaphore_mem>>)
      %add3A_177 = arith.constant 2 : i32
      %add3A_178 = arith.addi %mul3A_126, %add3A_177 : i32
      %lt3A = arith.constant 58 : i32
      %lt3A_179 = arith.cmpi slt, %add3A_178, %lt3A : i32
      %convert_element_type3A_180 = arith.extui %lt3A_179 : i1 to i32
      %cond3A_181 = arith.constant 0 : i32
      %cond3A_182 = arith.cmpi ne, %convert_element_type3A_180, %cond3A_181 : i32
      scf.if %cond3A_182 {
        %add3A_215 = arith.constant 2 : i32
        %add3A_216 = arith.addi %mul3A_126, %add3A_215 : i32
        %mul3A_217 = arith.constant 10000 : i32
        %mul3A_218 = arith.muli %add3A, %mul3A_217 : i32
        %mul3A_219 = arith.constant 176 : i32
        %mul3A_220 = arith.muli %add3A_216, %mul3A_219 : i32
        %add3A_221 = arith.addi %mul3A_218, %mul3A_220 : i32
        %min3A_222 = arith.constant 319824 : i32
        %min3A_223 = arith.minsi %add3A_221, %min3A_222 : i32
        %multiple_of3A_224 = tpu.assume_multiple %min3A_223, 8 : i32
        %dma_start3A_225 = tpu.memref_slice %arg3[%multiple_of3A_224] : memref<640000xi32, #tpu.memory_space<hbm>> -> memref<176xi32, #tpu.memory_space<hbm>>
        %dma_start3A_226 = tpu.memref_slice %arg3[%multiple_of3A_224] : memref<640000xi32, #tpu.memory_space<hbm>> -> memref<176xi32, #tpu.memory_space<hbm>>
        tpu.enqueue_dma source(%dma_start3A_226 : memref<176xi32, #tpu.memory_space<hbm>>) target(%arg6 : memref<176xi32, #tpu.memory_space<vmem>>) target_semaphore(%arg15 : memref<!tpu.dma_semaphore, #tpu.memory_space<semaphore_mem>>)
        %mul3A_227 = arith.constant 10000 : i32
        %mul3A_228 = arith.muli %add3A, %mul3A_227 : i32
        %mul3A_229 = arith.constant 176 : i32
        %mul3A_230 = arith.muli %add3A_216, %mul3A_229 : i32
        %add3A_231 = arith.addi %mul3A_228, %mul3A_230 : i32
        %min3A_232 = arith.constant 319824 : i32
        %min3A_233 = arith.minsi %add3A_231, %min3A_232 : i32
        %multiple_of3A_234 = tpu.assume_multiple %min3A_233, 8 : i32
        %add3A_235 = arith.constant 320000 : i32
        %add3A_236 = arith.addi %add3A_235, %multiple_of3A_234 : i32
        %dma_start3A_237 = tpu.memref_slice %arg3[%add3A_236] : memref<640000xi32, #tpu.memory_space<hbm>> -> memref<176xi32, #tpu.memory_space<hbm>>
        %dma_start3A_238 = tpu.memref_slice %arg3[%add3A_236] : memref<640000xi32, #tpu.memory_space<hbm>> -> memref<176xi32, #tpu.memory_space<hbm>>
        tpu.enqueue_dma source(%dma_start3A_238 : memref<176xi32, #tpu.memory_space<hbm>>) target(%arg8 : memref<176xi32, #tpu.memory_space<vmem>>) target_semaphore(%arg15 : memref<!tpu.dma_semaphore, #tpu.memory_space<semaphore_mem>>)
      } else {
      }
      %dma_start3A_183 = arith.constant 0 : i32
      %dma_start3A_184 = arith.constant 0 : i32
      %dma_start3A_185 = tpu.memref_slice %arg14[%dma_start3A_183, %dma_start3A_184] : memref<10112x128xf32, #tpu.memory_space<vmem_shared>> -> memref<10112x128xf32, #tpu.memory_space<vmem_shared>>
      tpu.enqueue_indirect_dma source(%arg12 : memref<176x128xf32, #tpu.memory_space<vmem>>) target(%dma_start3A_185 : memref<10112x128xf32, #tpu.memory_space<vmem_shared>>) offsets(%arg10 : memref<176xi32, #tpu.memory_space<vmem>>) semaphore(%arg19 : memref<!tpu.dma_semaphore, #tpu.memory_space<semaphore_mem>>) {add = true}
      %dma_start3A_186 = arith.constant 0 : i32
      %dma_start3A_187 = tpu.memref_slice %arg23[%dma_start3A_186] : memref<10112xf32, #tpu.memory_space<vmem_shared>> -> memref<10112xf32, #tpu.memory_space<vmem_shared>>
      tpu.enqueue_indirect_dma source(%arg21 : memref<176xf32, #tpu.memory_space<vmem>>) target(%dma_start3A_187 : memref<10112xf32, #tpu.memory_space<vmem_shared>>) offsets(%arg10 : memref<176xi32, #tpu.memory_space<vmem>>) semaphore(%arg19 : memref<!tpu.dma_semaphore, #tpu.memory_space<semaphore_mem>>) {add = true}
      %dma_wait3A_188 = arith.constant 0 : i32
      %dma_wait3A_189 = arith.constant 0 : i32
      %dma_wait3A_190 = tpu.memref_slice %arg2[%dma_wait3A_188, %dma_wait3A_189] : memref<10000x128xf32, #tpu.memory_space<hbm>> -> memref<10000x128xf32, #tpu.memory_space<hbm>>
      tpu.wait_indirect_dma semaphore(%arg18 : memref<!tpu.dma_semaphore, #tpu.memory_space<semaphore_mem>>) src(%dma_wait3A_190 : memref<10000x128xf32, #tpu.memory_space<hbm>>) dst(%arg13 : memref<176x128xf32, #tpu.memory_space<vmem>>)
      %dma_start3A_191 = arith.constant 0 : i32
      %dma_start3A_192 = arith.constant 0 : i32
      %dma_start3A_193 = tpu.memref_slice %arg14[%dma_start3A_191, %dma_start3A_192] : memref<10112x128xf32, #tpu.memory_space<vmem_shared>> -> memref<10112x128xf32, #tpu.memory_space<vmem_shared>>
      tpu.enqueue_indirect_dma source(%arg13 : memref<176x128xf32, #tpu.memory_space<vmem>>) target(%dma_start3A_193 : memref<10112x128xf32, #tpu.memory_space<vmem_shared>>) offsets(%arg11 : memref<176xi32, #tpu.memory_space<vmem>>) semaphore(%arg20 : memref<!tpu.dma_semaphore, #tpu.memory_space<semaphore_mem>>) {add = true}
      %dma_start3A_194 = arith.constant 0 : i32
      %dma_start3A_195 = tpu.memref_slice %arg23[%dma_start3A_194] : memref<10112xf32, #tpu.memory_space<vmem_shared>> -> memref<10112xf32, #tpu.memory_space<vmem_shared>>
      tpu.enqueue_indirect_dma source(%arg21 : memref<176xf32, #tpu.memory_space<vmem>>) target(%dma_start3A_195 : memref<10112xf32, #tpu.memory_space<vmem_shared>>) offsets(%arg11 : memref<176xi32, #tpu.memory_space<vmem>>) semaphore(%arg20 : memref<!tpu.dma_semaphore, #tpu.memory_space<semaphore_mem>>) {add = true}
      %dma_wait3A_196 = arith.constant 0 : i32
      %dma_wait3A_197 = arith.constant 0 : i32
      %dma_wait3A_198 = tpu.memref_slice %arg14[%dma_wait3A_196, %dma_wait3A_197] : memref<10112x128xf32, #tpu.memory_space<vmem_shared>> -> memref<10112x128xf32, #tpu.memory_space<vmem_shared>>
      tpu.wait_indirect_dma semaphore(%arg19 : memref<!tpu.dma_semaphore, #tpu.memory_space<semaphore_mem>>) src(%arg12 : memref<176x128xf32, #tpu.memory_space<vmem>>) dst(%dma_wait3A_198 : memref<10112x128xf32, #tpu.memory_space<vmem_shared>>)
      %dma_wait3A_199 = arith.constant 0 : i32
      %dma_wait3A_200 = tpu.memref_slice %arg23[%dma_wait3A_199] : memref<10112xf32, #tpu.memory_space<vmem_shared>> -> memref<10112xf32, #tpu.memory_space<vmem_shared>>
      tpu.wait_indirect_dma semaphore(%arg19 : memref<!tpu.dma_semaphore, #tpu.memory_space<semaphore_mem>>) src(%arg21 : memref<176xf32, #tpu.memory_space<vmem>>) dst(%dma_wait3A_200 : memref<10112xf32, #tpu.memory_space<vmem_shared>>)
      %add3A_201 = arith.constant 2 : i32
      %add3A_202 = arith.addi %mul3A_126, %add3A_201 : i32
      %lt3A_203 = arith.constant 58 : i32
      %lt3A_204 = arith.cmpi slt, %add3A_202, %lt3A_203 : i32
      %convert_element_type3A_205 = arith.extui %lt3A_204 : i1 to i32
      %cond3A_206 = arith.constant 0 : i32
      %cond3A_207 = arith.cmpi ne, %convert_element_type3A_205, %cond3A_206 : i32
      scf.if %cond3A_207 {
        %add3A_215 = arith.constant 2 : i32
        %add3A_216 = arith.addi %mul3A_126, %add3A_215 : i32
        %mul3A_217 = arith.constant 10000 : i32
        %mul3A_218 = arith.muli %add3A, %mul3A_217 : i32
        %mul3A_219 = arith.constant 176 : i32
        %mul3A_220 = arith.muli %add3A_216, %mul3A_219 : i32
        %add3A_221 = arith.addi %mul3A_218, %mul3A_220 : i32
        %min3A_222 = arith.constant 319824 : i32
        %min3A_223 = arith.minsi %add3A_221, %min3A_222 : i32
        %multiple_of3A_224 = tpu.assume_multiple %min3A_223, 8 : i32
        %dma_wait3A_225 = tpu.memref_slice %arg3[%multiple_of3A_224] : memref<640000xi32, #tpu.memory_space<hbm>> -> memref<176xi32, #tpu.memory_space<hbm>>
        %dma_wait3A_226 = tpu.memref_slice %arg3[%multiple_of3A_224] : memref<640000xi32, #tpu.memory_space<hbm>> -> memref<176xi32, #tpu.memory_space<hbm>>
        tpu.wait_dma2 semaphore(%arg15 : memref<!tpu.dma_semaphore, #tpu.memory_space<semaphore_mem>>) src(%dma_wait3A_226 : memref<176xi32, #tpu.memory_space<hbm>>) dst(%arg6 : memref<176xi32, #tpu.memory_space<vmem>>)
        %mul3A_227 = arith.constant 10000 : i32
        %mul3A_228 = arith.muli %add3A, %mul3A_227 : i32
        %mul3A_229 = arith.constant 176 : i32
        %mul3A_230 = arith.muli %add3A_216, %mul3A_229 : i32
        %add3A_231 = arith.addi %mul3A_228, %mul3A_230 : i32
        %min3A_232 = arith.constant 319824 : i32
        %min3A_233 = arith.minsi %add3A_231, %min3A_232 : i32
        %multiple_of3A_234 = tpu.assume_multiple %min3A_233, 8 : i32
        %add3A_235 = arith.constant 320000 : i32
        %add3A_236 = arith.addi %add3A_235, %multiple_of3A_234 : i32
        %dma_wait3A_237 = tpu.memref_slice %arg3[%add3A_236] : memref<640000xi32, #tpu.memory_space<hbm>> -> memref<176xi32, #tpu.memory_space<hbm>>
        %dma_wait3A_238 = tpu.memref_slice %arg3[%add3A_236] : memref<640000xi32, #tpu.memory_space<hbm>> -> memref<176xi32, #tpu.memory_space<hbm>>
        tpu.wait_dma2 semaphore(%arg15 : memref<!tpu.dma_semaphore, #tpu.memory_space<semaphore_mem>>) src(%dma_wait3A_238 : memref<176xi32, #tpu.memory_space<hbm>>) dst(%arg8 : memref<176xi32, #tpu.memory_space<vmem>>)
        %add3A_239 = arith.constant 2 : i32
        %add3A_240 = arith.addi %mul3A_126, %add3A_239 : i32
        %mul3A_241 = arith.constant 10000 : i32
        %mul3A_242 = arith.muli %add3A, %mul3A_241 : i32
        %mul3A_243 = arith.constant 176 : i32
        %mul3A_244 = arith.muli %add3A_240, %mul3A_243 : i32
        %add3A_245 = arith.addi %mul3A_242, %mul3A_244 : i32
        %min3A_246 = arith.constant 319824 : i32
        %min3A_247 = arith.minsi %add3A_245, %min3A_246 : i32
        %sub3A_248 = arith.subi %add3A_245, %min3A_247 : i32
        %scan3A_249 = arith.constant 0 : i32
        %scan3A_250 = arith.constant 0 : i32
        %scan3A_251 = arith.constant 11 : i32
        %scan3A_252 = arith.addi %scan3A_250, %scan3A_251 : i32
        %scan3A_253 = arith.constant 1 : i32
        scf.for %scan3A_258 = %scan3A_250 to %scan3A_252 step %scan3A_253  : i32 {
          %mul3A_259 = arith.constant 16 : i32
          %mul3A_260 = arith.muli %scan3A_258, %mul3A_259 : i32
          %get3A = arith.index_cast %mul3A_260 : i32 to index
          %get3A_261 = tpu.vector_load %arg8[%get3A] {strides = array<i32>} : memref<176xi32, #tpu.memory_space<vmem>>, vector<16xi32>,
          %get3A_262 = vector.shape_cast %get3A_261 : vector<16xi32> to vector<16xi32>
          %mul3A_263 = arith.constant 16 : i32
          %mul3A_264 = arith.muli %scan3A_258, %mul3A_263 : i32
          %add3A_265 = vector.broadcast %mul3A_264 : i32 to vector<16xi32>
          %add3A_266 = arith.addi %add3A_265, %iota3A_4 : vector<16xi32>
          %ge3A = vector.broadcast %sub3A_248 : i32 to vector<16xi32>
          %ge3A_267 = arith.cmpi sge, %add3A_266, %ge3A : vector<16xi32>
          %mul3A_268 = arith.constant 176 : i32
          %mul3A_269 = arith.muli %add3A_240, %mul3A_268 : i32
          %sub3A_270 = arith.subi %mul3A_269, %sub3A_248 : i32
          %add3A_271 = vector.broadcast %sub3A_270 : i32 to vector<16xi32>
          %add3A_272 = arith.addi %add3A_266, %add3A_271 : vector<16xi32>
          %lt3A_273 = arith.constant 10000 : i32
          %lt3A_274 = vector.broadcast %lt3A_273 : i32 to vector<16xi32>
          %lt3A_275 = arith.cmpi slt, %add3A_272, %lt3A_274 : vector<16xi32>
          %and3A = arith.andi %ge3A_267, %lt3A_275 : vector<16xi1>
          %select_n3A = arith.select %and3A, %get3A_262, %add3A_3 : vector<16xi1>, vector<16xi32>
          %mul3A_276 = arith.constant 16 : i32
          %mul3A_277 = arith.muli %scan3A_258, %mul3A_276 : i32
          %swap3A = arith.index_cast %mul3A_277 : i32 to index
          %swap3A_278 = tpu.vector_load %arg10[%swap3A] {strides = array<i32>} : memref<176xi32, #tpu.memory_space<vmem>>, vector<16xi32>,
          %swap3A_279 = vector.shape_cast %swap3A_278 : vector<16xi32> to vector<16xi32>
          %swap3A_280 = vector.shape_cast %select_n3A : vector<16xi32> to vector<16xi32>
          tpu.vector_store %arg10[%swap3A], %swap3A_280 {strides = array<i32>} : memref<176xi32, #tpu.memory_space<vmem>>, vector<16xi32>,
        }
        %scan3A_254 = arith.constant 11 : i32
        %dma_start3A_255 = arith.constant 0 : i32
        %dma_start3A_256 = arith.constant 0 : i32
        %dma_start3A_257 = tpu.memref_slice %arg2[%dma_start3A_255, %dma_start3A_256] : memref<10000x128xf32, #tpu.memory_space<hbm>> -> memref<10000x128xf32, #tpu.memory_space<hbm>>
        tpu.enqueue_indirect_dma source(%dma_start3A_257 : memref<10000x128xf32, #tpu.memory_space<hbm>>) target(%arg12 : memref<176x128xf32, #tpu.memory_space<vmem>>) offsets(%arg6 : memref<176xi32, #tpu.memory_space<vmem>>) semaphore(%arg17 : memref<!tpu.dma_semaphore, #tpu.memory_space<semaphore_mem>>)
      } else {
      }
      %add3A_208 = arith.constant 2 : i32
      %add3A_209 = arith.addi %add3A_130, %add3A_208 : i32
      %lt3A_210 = arith.constant 58 : i32
      %lt3A_211 = arith.cmpi slt, %add3A_209, %lt3A_210 : i32
      %convert_element_type3A_212 = arith.extui %lt3A_211 : i1 to i32
      %cond3A_213 = arith.constant 0 : i32
      %cond3A_214 = arith.cmpi ne, %convert_element_type3A_212, %cond3A_213 : i32
      scf.if %cond3A_214 {
        %add3A_215 = arith.constant 2 : i32
        %add3A_216 = arith.addi %add3A_130, %add3A_215 : i32
        %mul3A_217 = arith.constant 10000 : i32
        %mul3A_218 = arith.muli %add3A, %mul3A_217 : i32
        %mul3A_219 = arith.constant 176 : i32
        %mul3A_220 = arith.muli %add3A_216, %mul3A_219 : i32
        %add3A_221 = arith.addi %mul3A_218, %mul3A_220 : i32
        %min3A_222 = arith.constant 319824 : i32
        %min3A_223 = arith.minsi %add3A_221, %min3A_222 : i32
        %multiple_of3A_224 = tpu.assume_multiple %min3A_223, 8 : i32
        %dma_start3A_225 = tpu.memref_slice %arg3[%multiple_of3A_224] : memref<640000xi32, #tpu.memory_space<hbm>> -> memref<176xi32, #tpu.memory_space<hbm>>
        %dma_start3A_226 = tpu.memref_slice %arg3[%multiple_of3A_224] : memref<640000xi32, #tpu.memory_space<hbm>> -> memref<176xi32, #tpu.memory_space<hbm>>
        tpu.enqueue_dma source(%dma_start3A_226 : memref<176xi32, #tpu.memory_space<hbm>>) target(%arg7 : memref<176xi32, #tpu.memory_space<vmem>>) target_semaphore(%arg16 : memref<!tpu.dma_semaphore, #tpu.memory_space<semaphore_mem>>)
        %mul3A_227 = arith.constant 10000 : i32
        %mul3A_228 = arith.muli %add3A, %mul3A_227 : i32
        %mul3A_229 = arith.constant 176 : i32
        %mul3A_230 = arith.muli %add3A_216, %mul3A_229 : i32
        %add3A_231 = arith.addi %mul3A_228, %mul3A_230 : i32
        %min3A_232 = arith.constant 319824 : i32
        %min3A_233 = arith.minsi %add3A_231, %min3A_232 : i32
        %multiple_of3A_234 = tpu.assume_multiple %min3A_233, 8 : i32
        %add3A_235 = arith.constant 320000 : i32
        %add3A_236 = arith.addi %add3A_235, %multiple_of3A_234 : i32
        %dma_start3A_237 = tpu.memref_slice %arg3[%add3A_236] : memref<640000xi32, #tpu.memory_space<hbm>> -> memref<176xi32, #tpu.memory_space<hbm>>
        %dma_start3A_238 = tpu.memref_slice %arg3[%add3A_236] : memref<640000xi32, #tpu.memory_space<hbm>> -> memref<176xi32, #tpu.memory_space<hbm>>
        tpu.enqueue_dma source(%dma_start3A_238 : memref<176xi32, #tpu.memory_space<hbm>>) target(%arg9 : memref<176xi32, #tpu.memory_space<vmem>>) target_semaphore(%arg16 : memref<!tpu.dma_semaphore, #tpu.memory_space<semaphore_mem>>)
      } else {
      }
    }
    %scan3A_112 = arith.constant 29 : i32
    %dma_wait3A_113 = arith.constant 0 : i32
    %dma_wait3A_114 = arith.constant 0 : i32
    %dma_wait3A_115 = tpu.memref_slice %arg14[%dma_wait3A_113, %dma_wait3A_114] : memref<10112x128xf32, #tpu.memory_space<vmem_shared>> -> memref<10112x128xf32, #tpu.memory_space<vmem_shared>>
    tpu.wait_indirect_dma semaphore(%arg20 : memref<!tpu.dma_semaphore, #tpu.memory_space<semaphore_mem>>) src(%arg13 : memref<176x128xf32, #tpu.memory_space<vmem>>) dst(%dma_wait3A_115 : memref<10112x128xf32, #tpu.memory_space<vmem_shared>>)
    %dma_wait3A_116 = arith.constant 0 : i32
    %dma_wait3A_117 = tpu.memref_slice %arg23[%dma_wait3A_116] : memref<10112xf32, #tpu.memory_space<vmem_shared>> -> memref<10112xf32, #tpu.memory_space<vmem_shared>>
    tpu.wait_indirect_dma semaphore(%arg20 : memref<!tpu.dma_semaphore, #tpu.memory_space<semaphore_mem>>) src(%arg21 : memref<176xf32, #tpu.memory_space<vmem>>) dst(%dma_wait3A_117 : memref<10112xf32, #tpu.memory_space<vmem_shared>>)
    %barrier3A_118 = arith.constant 0 : index
    tpu.barrier barrier_id(%barrier3A_118)
    %mul3A_119 = arith.constant 624 : i32
    %mul3A_120 = arith.muli %arg1, %mul3A_119 : i32
    %multiple_of3A_121 = tpu.assume_multiple %mul3A_120, 8 : i32
    "tpu.region"() ({
      %run_scoped3A = tpu.sem_alloc : memref<!tpu.dma_semaphore, #tpu.memory_space<semaphore_mem>>
      %dma_start3A_124 = arith.constant 0 : i32
      %dma_start3A_125 = tpu.memref_slice %arg4[%arg0, %multiple_of3A_121, %dma_start3A_124] : memref<2x10000x128xf32, #tpu.memory_space<hbm>> -> memref<1x624x128xf32, #tpu.memory_space<hbm>>
      %dma_start3A_126 = tpu.memref_squeeze %dma_start3A_125 : memref<1x624x128xf32, #tpu.memory_space<hbm>> -> memref<624x128xf32, #tpu.memory_space<hbm>>
      %dma_start3A_127 = arith.constant 0 : i32
      %dma_start3A_128 = tpu.memref_slice %arg14[%multiple_of3A_121, %dma_start3A_127] : memref<10112x128xf32, #tpu.memory_space<vmem_shared>> -> memref<624x128xf32, #tpu.memory_space<vmem_shared>>
      tpu.enqueue_dma source(%dma_start3A_128 : memref<624x128xf32, #tpu.memory_space<vmem_shared>>) target(%dma_start3A_126 : memref<624x128xf32, #tpu.memory_space<hbm>>) target_semaphore(%run_scoped3A : memref<!tpu.dma_semaphore, #tpu.memory_space<semaphore_mem>>)
      %dma_wait3A_129 = arith.constant 0 : i32
      %dma_wait3A_130 = tpu.memref_slice %arg4[%arg0, %multiple_of3A_121, %dma_wait3A_129] : memref<2x10000x128xf32, #tpu.memory_space<hbm>> -> memref<1x624x128xf32, #tpu.memory_space<hbm>>
      %dma_wait3A_131 = tpu.memref_squeeze %dma_wait3A_130 : memref<1x624x128xf32, #tpu.memory_space<hbm>> -> memref<624x128xf32, #tpu.memory_space<hbm>>
      %dma_wait3A_132 = arith.constant 0 : i32
      %dma_wait3A_133 = tpu.memref_slice %arg14[%multiple_of3A_121, %dma_wait3A_132] : memref<10112x128xf32, #tpu.memory_space<vmem_shared>> -> memref<624x128xf32, #tpu.memory_space<vmem_shared>>
      tpu.wait_dma2 semaphore(%run_scoped3A : memref<!tpu.dma_semaphore, #tpu.memory_space<semaphore_mem>>) src(%dma_wait3A_133 : memref<624x128xf32, #tpu.memory_space<vmem_shared>>) dst(%dma_wait3A_131 : memref<624x128xf32, #tpu.memory_space<hbm>>)
      tpu.yield
    }) : () -> ()
    %eq3A = arith.constant 0 : i32
    %eq3A_122 = arith.cmpi eq, %arg1, %eq3A : i32
    %convert_element_type3A = arith.extui %eq3A_122 : i1 to i32
    %cond3A = arith.constant 0 : i32
    %cond3A_123 = arith.cmpi ne, %convert_element_type3A, %cond3A : i32
    scf.if %cond3A_123 {
      "tpu.region"() ({
        %run_scoped3A = tpu.sem_alloc : memref<!tpu.dma_semaphore, #tpu.memory_space<semaphore_mem>>
        %dma_start3A_124 = arith.constant 9984 : i32
        %dma_start3A_125 = arith.constant 0 : i32
        %dma_start3A_126 = tpu.memref_slice %arg4[%arg0, %dma_start3A_124, %dma_start3A_125] : memref<2x10000x128xf32, #tpu.memory_space<hbm>> -> memref<1x16x128xf32, #tpu.memory_space<hbm>>
        %dma_start3A_127 = tpu.memref_squeeze %dma_start3A_126 : memref<1x16x128xf32, #tpu.memory_space<hbm>> -> memref<16x128xf32, #tpu.memory_space<hbm>>
        %dma_start3A_128 = arith.constant 9984 : i32
        %dma_start3A_129 = arith.constant 0 : i32
        %dma_start3A_130 = tpu.memref_slice %arg14[%dma_start3A_128, %dma_start3A_129] : memref<10112x128xf32, #tpu.memory_space<vmem_shared>> -> memref<16x128xf32, #tpu.memory_space<vmem_shared>>
        tpu.enqueue_dma source(%dma_start3A_130 : memref<16x128xf32, #tpu.memory_space<vmem_shared>>) target(%dma_start3A_127 : memref<16x128xf32, #tpu.memory_space<hbm>>) target_semaphore(%run_scoped3A : memref<!tpu.dma_semaphore, #tpu.memory_space<semaphore_mem>>)
        %dma_wait3A_131 = arith.constant 9984 : i32
        %dma_wait3A_132 = arith.constant 0 : i32
        %dma_wait3A_133 = tpu.memref_slice %arg4[%arg0, %dma_wait3A_131, %dma_wait3A_132] : memref<2x10000x128xf32, #tpu.memory_space<hbm>> -> memref<1x16x128xf32, #tpu.memory_space<hbm>>
        %dma_wait3A_134 = tpu.memref_squeeze %dma_wait3A_133 : memref<1x16x128xf32, #tpu.memory_space<hbm>> -> memref<16x128xf32, #tpu.memory_space<hbm>>
        %dma_wait3A_135 = arith.constant 9984 : i32
        %dma_wait3A_136 = arith.constant 0 : i32
        %dma_wait3A_137 = tpu.memref_slice %arg14[%dma_wait3A_135, %dma_wait3A_136] : memref<10112x128xf32, #tpu.memory_space<vmem_shared>> -> memref<16x128xf32, #tpu.memory_space<vmem_shared>>
        tpu.wait_dma2 semaphore(%run_scoped3A : memref<!tpu.dma_semaphore, #tpu.memory_space<semaphore_mem>>) src(%dma_wait3A_137 : memref<16x128xf32, #tpu.memory_space<vmem_shared>>) dst(%dma_wait3A_134 : memref<16x128xf32, #tpu.memory_space<hbm>>)
        tpu.yield
      }) : () -> ()
      "tpu.region"() ({
        %run_scoped3A = tpu.sem_alloc : memref<!tpu.dma_semaphore, #tpu.memory_space<semaphore_mem>>
        %dma_start3A_124 = arith.constant 0 : i32
        %dma_start3A_125 = tpu.memref_slice %arg5[%arg0, %dma_start3A_124] : memref<2x10112xf32, #tpu.memory_space<hbm>> -> memref<1x10112xf32, #tpu.memory_space<hbm>>
        %dma_start3A_126 = tpu.memref_squeeze %dma_start3A_125 : memref<1x10112xf32, #tpu.memory_space<hbm>> -> memref<10112xf32, #tpu.memory_space<hbm>>
        tpu.enqueue_dma source(%arg23 : memref<10112xf32, #tpu.memory_space<vmem_shared>>) target(%dma_start3A_126 : memref<10112xf32, #tpu.memory_space<hbm>>) target_semaphore(%run_scoped3A : memref<!tpu.dma_semaphore, #tpu.memory_space<semaphore_mem>>)
        %dma_wait3A_127 = arith.constant 0 : i32
        %dma_wait3A_128 = tpu.memref_slice %arg5[%arg0, %dma_wait3A_127] : memref<2x10112xf32, #tpu.memory_space<hbm>> -> memref<1x10112xf32, #tpu.memory_space<hbm>>
        %dma_wait3A_129 = tpu.memref_squeeze %dma_wait3A_128 : memref<1x10112xf32, #tpu.memory_space<hbm>> -> memref<10112xf32, #tpu.memory_space<hbm>>
        tpu.wait_dma2 semaphore(%run_scoped3A : memref<!tpu.dma_semaphore, #tpu.memory_space<semaphore_mem>>) src(%arg23 : memref<10112xf32, #tpu.memory_space<vmem_shared>>) dst(%dma_wait3A_129 : memref<10112xf32, #tpu.memory_space<hbm>>)
        tpu.yield
      }) : () -> ()
    } else {
    }
    return
  }
}

module attributes {stable_mosaic.version = 14 : i64} {
  func.func @body(%arg0: i32, %arg1: memref<2000x128xf32, #tpu.memory_space<vmem>>, %arg2: memref<128x128xf32, #tpu.memory_space<vmem>>, %arg3: memref<1x128xf32, #tpu.memory_space<vmem>>, %arg4: memref<2000x128xf32, #tpu.memory_space<vmem>>) attributes {dimension_semantics = [#tpu.dimension_semantics<arbitrary>], iteration_bounds = array<i64: 5>, scalar_prefetch = 0 : i64, scratch_operands = 0 : i64, tpu.core_type = #tpu.core_type<tc>, window_params = [{transform_indices = @transform_0, window_bounds = array<i64: 2000, 128>}, {pipeline_mode = #tpu.pipeline_mode<synchronous>, transform_indices = @transform_1, window_bounds = array<i64: 128, 128>}, {pipeline_mode = #tpu.pipeline_mode<synchronous>, transform_indices = @transform_2, window_bounds = array<i64: 1, 128>}, {transform_indices = @transform_3, window_bounds = array<i64: 2000, 128>}]} {
    %get3A = arith.constant 0 : index
    %get3A_0 = arith.constant 0 : index
    %get3A_1 = vector.load %arg1[%get3A, %get3A_0] : memref<2000x128xf32, #tpu.memory_space<vmem>>, vector<2000x128xf32>
    %get3A_2 = arith.constant 0 : index
    %get3A_3 = arith.constant 0 : index
    %get3A_4 = vector.load %arg2[%get3A_2, %get3A_3] : memref<128x128xf32, #tpu.memory_space<vmem>>, vector<128x128xf32>
    %dot_general3A = arith.constant dense<0.000000e+00> : vector<2000x128xf32>
    %dot_general3A_5 = tpu.matmul %get3A_1, %get3A_4, %dot_general3A {dimension_numbers = #tpu.dot_dimension_numbers<[1], [0], [0], [1], [0, 0, 1, 1], [], []>, precision = #tpu.contract_precision<fp32>, transpose_lhs_hint = false} : vector<2000x128xf32>, vector<128x128xf32>, vector<2000x128xf32> -> vector<2000x128xf32>
    %get3A_6 = arith.constant 0 : index
    %get3A_7 = arith.constant 0 : index
    %get3A_8 = vector.load %arg3[%get3A_6, %get3A_7] : memref<1x128xf32, #tpu.memory_space<vmem>>, vector<1x128xf32>
    %add3A = vector.broadcast %get3A_8 : vector<1x128xf32> to vector<2000x128xf32>
    %add3A_9 = arith.addf %dot_general3A_5, %add3A : vector<2000x128xf32>
    %swap3A = arith.constant 0 : index
    %swap3A_10 = arith.constant 0 : index
    %swap3A_11 = vector.load %arg4[%swap3A, %swap3A_10] : memref<2000x128xf32, #tpu.memory_space<vmem>>, vector<2000x128xf32>
    tpu.vector_store %arg4[%swap3A, %swap3A_10], %add3A_9 {strides = array<i32>} : memref<2000x128xf32, #tpu.memory_space<vmem>>, vector<2000x128xf32>,
    return
  }
  func.func @transform_0(%arg0: i32) -> (i32, i32) {
    %c0_i32 = arith.constant 0 : i32
    %c0_i32_0 = arith.constant 0 : i32
    return %arg0, %c0_i32 : i32, i32
  }
  func.func @transform_1(%arg0: i32) -> (i32, i32) {
    %c0_i32 = arith.constant 0 : i32
    %c0_i32_0 = arith.constant 0 : i32
    %c0_i32_1 = arith.constant 0 : i32
    return %c0_i32, %c0_i32_0 : i32, i32
  }
  func.func @transform_2(%arg0: i32) -> (i32, i32) {
    %c0_i32 = arith.constant 0 : i32
    %c0_i32_0 = arith.constant 0 : i32
    %c0_i32_1 = arith.constant 0 : i32
    return %c0_i32, %c0_i32_0 : i32, i32
  }
  func.func @transform_3(%arg0: i32) -> (i32, i32) {
    %c0_i32 = arith.constant 0 : i32
    %c0_i32_0 = arith.constant 0 : i32
    return %arg0, %c0_i32 : i32, i32
  }
}

module attributes {stable_mosaic.version = 14 : i64} {
  func.func @body(%arg0: i32, %arg1: memref<2000x128xf32, #tpu.memory_space<vmem>>, %arg2: memref<2000x128xf32, #tpu.memory_space<vmem>>, %arg3: memref<2000x1xf32, #tpu.memory_space<vmem>>, %arg4: memref<2000x128xf32, #tpu.memory_space<vmem>>, %arg5: memref<128x128xf32, #tpu.memory_space<vmem>>, %arg6: memref<2000x128xf32, #tpu.memory_space<vmem>>) attributes {dimension_semantics = [#tpu.dimension_semantics<arbitrary>], iteration_bounds = array<i64: 5>, scalar_prefetch = 0 : i64, scratch_operands = 0 : i64, tpu.core_type = #tpu.core_type<tc>, window_params = [{transform_indices = @transform_0, window_bounds = array<i64: 2000, 128>}, {transform_indices = @transform_1, window_bounds = array<i64: 2000, 128>}, {transform_indices = @transform_2, window_bounds = array<i64: 2000, 1>}, {transform_indices = @transform_3, window_bounds = array<i64: 2000, 128>}, {pipeline_mode = #tpu.pipeline_mode<synchronous>, transform_indices = @transform_4, window_bounds = array<i64: 128, 128>}, {transform_indices = @transform_5, window_bounds = array<i64: 2000, 128>}]} {
    %get3A = arith.constant 0 : index
    %get3A_0 = arith.constant 0 : index
    %get3A_1 = vector.load %arg1[%get3A, %get3A_0] : memref<2000x128xf32, #tpu.memory_space<vmem>>, vector<2000x128xf32>
    %get3A_2 = arith.constant 0 : index
    %get3A_3 = arith.constant 0 : index
    %get3A_4 = vector.load %arg2[%get3A_2, %get3A_3] : memref<2000x128xf32, #tpu.memory_space<vmem>>, vector<2000x128xf32>
    %add3A = arith.addf %get3A_1, %get3A_4 : vector<2000x128xf32>
    %get3A_5 = arith.constant 0 : index
    %get3A_6 = arith.constant 0 : index
    %get3A_7 = vector.load %arg3[%get3A_5, %get3A_6] : memref<2000x1xf32, #tpu.memory_space<vmem>>, vector<2000x1xf32>
    %max3A = arith.constant 1.000000e+00 : f32
    %max3A_8 = vector.broadcast %max3A : f32 to vector<2000x1xf32>
    %max3A_9 = arith.maximumf %get3A_7, %max3A_8 : vector<2000x1xf32>
    %div3A = vector.broadcast %max3A_9 : vector<2000x1xf32> to vector<2000x128xf32>
    %div3A_10 = arith.divf %add3A, %div3A : vector<2000x128xf32>
    %get3A_11 = arith.constant 0 : index
    %get3A_12 = arith.constant 0 : index
    %get3A_13 = vector.load %arg5[%get3A_11, %get3A_12] : memref<128x128xf32, #tpu.memory_space<vmem>>, vector<128x128xf32>
    %dot_general3A = arith.constant dense<0.000000e+00> : vector<2000x128xf32>
    %dot_general3A_14 = tpu.matmul %div3A_10, %get3A_13, %dot_general3A {dimension_numbers = #tpu.dot_dimension_numbers<[1], [0], [0], [1], [0, 0, 1, 1], [], []>, precision = #tpu.contract_precision<fp32>, transpose_lhs_hint = false} : vector<2000x128xf32>, vector<128x128xf32>, vector<2000x128xf32> -> vector<2000x128xf32>
    %get3A_15 = arith.constant 0 : index
    %get3A_16 = arith.constant 0 : index
    %get3A_17 = vector.load %arg4[%get3A_15, %get3A_16] : memref<2000x128xf32, #tpu.memory_space<vmem>>, vector<2000x128xf32>
    %add3A_18 = arith.addf %dot_general3A_14, %get3A_17 : vector<2000x128xf32>
    %max3A_19 = arith.constant 0.000000e+00 : f32
    %max3A_20 = vector.broadcast %max3A_19 : f32 to vector<2000x128xf32>
    %max3A_21 = arith.maximumf %add3A_18, %max3A_20 : vector<2000x128xf32>
    %swap3A = arith.constant 0 : index
    %swap3A_22 = arith.constant 0 : index
    %swap3A_23 = vector.load %arg6[%swap3A, %swap3A_22] : memref<2000x128xf32, #tpu.memory_space<vmem>>, vector<2000x128xf32>
    tpu.vector_store %arg6[%swap3A, %swap3A_22], %max3A_21 {strides = array<i32>} : memref<2000x128xf32, #tpu.memory_space<vmem>>, vector<2000x128xf32>,
    return
  }
  func.func @transform_0(%arg0: i32) -> (i32, i32) {
    %c0_i32 = arith.constant 0 : i32
    %c0_i32_0 = arith.constant 0 : i32
    return %arg0, %c0_i32 : i32, i32
  }
  func.func @transform_1(%arg0: i32) -> (i32, i32) {
    %c0_i32 = arith.constant 0 : i32
    %c0_i32_0 = arith.constant 0 : i32
    return %arg0, %c0_i32 : i32, i32
  }
  func.func @transform_2(%arg0: i32) -> (i32, i32) {
    %c0_i32 = arith.constant 0 : i32
    %c0_i32_0 = arith.constant 0 : i32
    return %arg0, %c0_i32 : i32, i32
  }
  func.func @transform_3(%arg0: i32) -> (i32, i32) {
    %c0_i32 = arith.constant 0 : i32
    %c0_i32_0 = arith.constant 0 : i32
    return %arg0, %c0_i32 : i32, i32
  }
  func.func @transform_4(%arg0: i32) -> (i32, i32) {
    %c0_i32 = arith.constant 0 : i32
    %c0_i32_0 = arith.constant 0 : i32
    %c0_i32_1 = arith.constant 0 : i32
    return %c0_i32, %c0_i32_0 : i32, i32
  }
  func.func @transform_5(%arg0: i32) -> (i32, i32) {
    %c0_i32 = arith.constant 0 : i32
    %c0_i32_0 = arith.constant 0 : i32
    return %arg0, %c0_i32 : i32, i32
  }
}

module attributes {stable_mosaic.version = 14 : i64} {
  func.func @body(%arg0: i32, %arg1: memref<2000x128xf32, #tpu.memory_space<vmem>>, %arg2: memref<2000x128xf32, #tpu.memory_space<vmem>>, %arg3: memref<2000x1xf32, #tpu.memory_space<vmem>>, %arg4: memref<2000x128xf32, #tpu.memory_space<vmem>>, %arg5: memref<128x128xf32, #tpu.memory_space<vmem>>, %arg6: memref<2000x128xf32, #tpu.memory_space<vmem>>) attributes {dimension_semantics = [#tpu.dimension_semantics<arbitrary>], iteration_bounds = array<i64: 5>, scalar_prefetch = 0 : i64, scratch_operands = 0 : i64, tpu.core_type = #tpu.core_type<tc>, window_params = [{transform_indices = @transform_0, window_bounds = array<i64: 2000, 128>}, {transform_indices = @transform_1, window_bounds = array<i64: 2000, 128>}, {transform_indices = @transform_2, window_bounds = array<i64: 2000, 1>}, {transform_indices = @transform_3, window_bounds = array<i64: 2000, 128>}, {pipeline_mode = #tpu.pipeline_mode<synchronous>, transform_indices = @transform_4, window_bounds = array<i64: 128, 128>}, {transform_indices = @transform_5, window_bounds = array<i64: 2000, 128>}]} {
    %get3A = arith.constant 0 : index
    %get3A_0 = arith.constant 0 : index
    %get3A_1 = vector.load %arg1[%get3A, %get3A_0] : memref<2000x128xf32, #tpu.memory_space<vmem>>, vector<2000x128xf32>
    %get3A_2 = arith.constant 0 : index
    %get3A_3 = arith.constant 0 : index
    %get3A_4 = vector.load %arg2[%get3A_2, %get3A_3] : memref<2000x128xf32, #tpu.memory_space<vmem>>, vector<2000x128xf32>
    %add3A = arith.addf %get3A_1, %get3A_4 : vector<2000x128xf32>
    %get3A_5 = arith.constant 0 : index
    %get3A_6 = arith.constant 0 : index
    %get3A_7 = vector.load %arg3[%get3A_5, %get3A_6] : memref<2000x1xf32, #tpu.memory_space<vmem>>, vector<2000x1xf32>
    %max3A = arith.constant 1.000000e+00 : f32
    %max3A_8 = vector.broadcast %max3A : f32 to vector<2000x1xf32>
    %max3A_9 = arith.maximumf %get3A_7, %max3A_8 : vector<2000x1xf32>
    %div3A = vector.broadcast %max3A_9 : vector<2000x1xf32> to vector<2000x128xf32>
    %div3A_10 = arith.divf %add3A, %div3A : vector<2000x128xf32>
    %get3A_11 = arith.constant 0 : index
    %get3A_12 = arith.constant 0 : index
    %get3A_13 = vector.load %arg5[%get3A_11, %get3A_12] : memref<128x128xf32, #tpu.memory_space<vmem>>, vector<128x128xf32>
    %dot_general3A = arith.constant dense<0.000000e+00> : vector<2000x128xf32>
    %dot_general3A_14 = tpu.matmul %div3A_10, %get3A_13, %dot_general3A {dimension_numbers = #tpu.dot_dimension_numbers<[1], [0], [0], [1], [0, 0, 1, 1], [], []>, precision = #tpu.contract_precision<fp32>, transpose_lhs_hint = false} : vector<2000x128xf32>, vector<128x128xf32>, vector<2000x128xf32> -> vector<2000x128xf32>
    %get3A_15 = arith.constant 0 : index
    %get3A_16 = arith.constant 0 : index
    %get3A_17 = vector.load %arg4[%get3A_15, %get3A_16] : memref<2000x128xf32, #tpu.memory_space<vmem>>, vector<2000x128xf32>
    %add3A_18 = arith.addf %dot_general3A_14, %get3A_17 : vector<2000x128xf32>
    %swap3A = arith.constant 0 : index
    %swap3A_19 = arith.constant 0 : index
    %swap3A_20 = vector.load %arg6[%swap3A, %swap3A_19] : memref<2000x128xf32, #tpu.memory_space<vmem>>, vector<2000x128xf32>
    tpu.vector_store %arg6[%swap3A, %swap3A_19], %add3A_18 {strides = array<i32>} : memref<2000x128xf32, #tpu.memory_space<vmem>>, vector<2000x128xf32>,
    return
  }
  func.func @transform_0(%arg0: i32) -> (i32, i32) {
    %c0_i32 = arith.constant 0 : i32
    %c0_i32_0 = arith.constant 0 : i32
    return %arg0, %c0_i32 : i32, i32
  }
  func.func @transform_1(%arg0: i32) -> (i32, i32) {
    %c0_i32 = arith.constant 0 : i32
    %c0_i32_0 = arith.constant 0 : i32
    return %arg0, %c0_i32 : i32, i32
  }
  func.func @transform_2(%arg0: i32) -> (i32, i32) {
    %c0_i32 = arith.constant 0 : i32
    %c0_i32_0 = arith.constant 0 : i32
    return %arg0, %c0_i32 : i32, i32
  }
  func.func @transform_3(%arg0: i32) -> (i32, i32) {
    %c0_i32 = arith.constant 0 : i32
    %c0_i32_0 = arith.constant 0 : i32
    return %arg0, %c0_i32 : i32, i32
  }
  func.func @transform_4(%arg0: i32) -> (i32, i32) {
    %c0_i32 = arith.constant 0 : i32
    %c0_i32_0 = arith.constant 0 : i32
    %c0_i32_1 = arith.constant 0 : i32
    return %c0_i32, %c0_i32_0 : i32, i32
  }
  func.func @transform_5(%arg0: i32) -> (i32, i32) {
    %c0_i32 = arith.constant 0 : i32
    %c0_i32_0 = arith.constant 0 : i32
    return %arg0, %c0_i32 : i32, i32
  }
}

</mosaic_0001>

<sc_bundles>
// kernel: kernel.11.cloned.1.call-start
scs
__scs_entry_jumppad:
0x0: {  	(pc) =	sbr.rel $0x88, $3  }
0x1: {  	(tag) =	ssettag $0x0;
	lr =	simm.s32 $0x1  }
0x2: {  	[smem:$0x3F99] =	sst lr;
	_ =	strace $0xD0000000  }
0x3: {  	_ = 	snop  }
0x4: {  	_ = 	snop  }
0x5: {  	_ = 	snop  }
0x6: {  	_ = 	snop  }
0x7: {  	_ = 	snop  }
__scs_overlays_trampoline_lowered:
0x8: {  	[smem:$0x3FA8] =	sst s0  }
0x9: {  	[smem:$0x3FA9] =	sst s1  }
0xa: {  	[smem:$0x3FAA] =	sst s2  }
0xb: {  	[smem:$0x3FAB] =	sst s3  }
0xc: {  	[smem:$0x3FAC] =	sst s4  }
0xd: {  	[smem:$0x3FAD] =	sst s5  }
0xe: {  	[smem:$0x3FAE] =	sst s6  }
0xf: {  	[smem:$0x3FAF] =	sst s7  }
0x10: {  	[smem:$0x3FB0] =	sst s8  }
0x11: {  	[smem:$0x3FB1] =	sst s9;
	s0 =	simm.s32 @!p0 $0x0  }
0x12: {  	s1 =	sld [smem:$0x3F97];
	s0 =	simm.s32 @p0 $0x1  }
0x13: {  	[smem:$0x3FB2] =	sst s0;
	s0 =	simm.s32 @!p1 $0x0  }
0x14: {  	s2 =	sld [smem:$0x3F96];
	s0 =	simm.s32 @p1 $0x1  }
0x15: {  	[smem:$0x3FB3] =	sst s0;
	s0 =	simm.s32 @!p2 $0x0  }
0x16: {  	s3 =	sld [smem:$0x3FDB];
	s0 =	simm.s32 @p2 $0x1  }
0x17: {  	s4 =	simm.s32 $0x1BF5;
	[smem:$0x3FB5] =	sst s0  }
0x18: {  	s0 =	sld [smem:$0x3F98];
	_ =	swait.ge [sflag:s4], $0x0  }
0x19: {  	s7 =	sld [smem:$0x3F99]  }
0x1a: {  	s8 =	sadd.s32 $0xFFFFE003, lr  }
0x1b: {  	s9 =	sadd.s32 $0xFFFFFEF7, lr;
	s5 =	simm.s32 $0xFFFFFFFF;
	p2 =	slt.u32 s8, $0xFFFFF086  }
0x1c: {  	p1 =	slt.u32 s9, $0xF7A;
	s5 =	simm.s32 @!p2 $0x0  }
0x1d: {  	s5 =	simm.s32 @p1 $0x1;
	p0 =	seq.s32 s7, s2  }
0x1e: {  	s7 =	smul.u32 @!p0 $0xF7A, s2;
	p2 =	seq.s32 @!p0 s5, $0x0  }
0x1f: {  	s9 =	smul.u32 $0xF7A, s1;
	s8 =	simm.s32 @!p0 $0x1BF5;
	p2 =	por !p2, p0  }
0x20: {  	[sflag:s8] =	ssyncset.s32 @!p0 $0xFFFFF086;
	s6 =	sadd.s32 @!p0 s3, s7;
	s7 =	simm.s32 @!p0 $0x108  }
0x21: {  	s3 =	sadd.s32 s3, s9;
	s6 =	sadd.s32 @!p0 $0x88, s6;
	s7 =	simm.s32 @p2 $0x1082  }
0x22: {  	[simem:s7], [sflag:s8] =	dma.local @!p0 [hbm:s6], $0xF7A  }
0x23: {  	s9 =	sor.u32 $0xD0000000, s2;
	s6 =	simm.s32 $0x108;
	_ =	swait.ge @!p0 [sflag:s8], $0x0  }
0x24: {  	s3 =	sadd.s32 $0x88, s3;
	s6 =	simm.s32 @!p1 $0x1082;
	[sflag:s4] =	ssyncset.s32 $0xFFFFF086  }
0x25: {  	[simem:s6], [sflag:s4] =	dma.local [hbm:s3], $0xF7A  }
0x26: {  	[smem:$0x3F99] =	sst s1;
	(tag) =	ssettag s2;
	_ =	strace s9  }
0x27: {  	s1 =	sld [smem:$0x3FA9]  }
0x28: {  	s2 =	sld [smem:$0x3FAA]  }
0x29: {  	s4 =	sld [smem:$0x3FAC]  }
0x2a: {  	p0 =	seq.s32 s5, $0x0;
	s5 =	sld [smem:$0x3FAD]  }
0x2b: {  	s6 =	sld [smem:$0x3FAE]  }
0x2c: {  	s7 =	sld [smem:$0x3FAF]  }
0x2d: {  	s3 =	simm.s32 $0x108;
	s8 =	sld [smem:$0x3FB0]  }
0x2e: {  	s3 =	simm.s32 @!p0 $0x1082;
	s9 =	sld [smem:$0x3FB1]  }
0x2f: {  	lr =	sadd.s32 s0, s3;
	s0 =	sld [smem:$0x3FA8]  }
0x30: {  	s3 =	sld [smem:$0x3FAB]  }
0x31: {  	[smem:$0x3FB4] =	sst s10  }
0x32: {  	s10 =	sld [smem:$0x3FB2];
	_ =	sdelay $0x3  }
0x33: {  	p0 =	seq.s32 s10, $0x1;
	s10 =	sld [smem:$0x3FB4];
	_ =	sdelay $0x3  }
0x34: {  	[smem:$0x3FB4] =	sst s10  }
0x35: {  	s10 =	sld [smem:$0x3FB3];
	_ =	sdelay $0x3  }
0x36: {  	p1 =	seq.s32 s10, $0x1;
	s10 =	sld [smem:$0x3FB4];
	_ =	sdelay $0x3  }
0x37: {  	[smem:$0x3FB4] =	sst s10  }
0x38: {  	s10 =	sld [smem:$0x3FB5]  }
0x39: {  	_ = 	snop;
	(pc) =	sbr.ind lr, $3  }
0x3a: {  	_ = 	snop  }
0x3b: {  	_ = 	snop  }
0x3c: {  	p2 =	seq.s32 s10, $0x1;
	s10 =	sld [smem:$0x3FB4]  }
0x3d: {  	_ =	shalt  }
0x3e: {  	_ =	shalt  }
0x3f: {  	_ =	shalt  }
0x40: {  	_ =	shalt  }
0x41: {  	_ =	shalt  }
0x42: {  	_ =	shalt  }
0x43: {  	_ =	shalt  }
0x44: {  	_ =	shalt  }
0x45: {  	_ =	shalt  }
0x46: {  	_ =	shalt  }
0x47: {  	_ =	shalt  }
0x48: {  	_ =	shalt  }
0x49: {  	_ =	shalt  }
0x4a: {  	_ =	shalt  }
0x4b: {  	_ =	shalt  }
0x4c: {  	_ =	shalt  }
0x4d: {  	_ =	shalt  }
0x4e: {  	_ =	shalt  }
0x4f: {  	_ =	shalt  }
0x50: {  	_ =	shalt  }
0x51: {  	_ =	shalt  }
0x52: {  	_ =	shalt  }
0x53: {  	_ =	shalt  }
0x54: {  	_ =	shalt  }
0x55: {  	_ =	shalt  }
0x56: {  	_ =	shalt  }
0x57: {  	_ =	shalt  }
0x58: {  	_ =	shalt  }
0x59: {  	_ =	shalt  }
0x5a: {  	_ =	shalt  }
0x5b: {  	_ =	shalt  }
0x5c: {  	_ =	shalt  }
0x5d: {  	_ =	shalt  }
0x5e: {  	_ =	shalt  }
0x5f: {  	_ =	shalt  }
0x60: {  	_ =	shalt  }
0x61: {  	_ =	shalt  }
0x62: {  	_ =	shalt  }
0x63: {  	_ =	shalt  }
0x64: {  	_ =	shalt  }
0x65: {  	_ =	shalt  }
0x66: {  	_ =	shalt  }
0x67: {  	_ =	shalt  }
0x68: {  	_ =	shalt  }
0x69: {  	_ =	shalt  }
0x6a: {  	_ =	shalt  }
0x6b: {  	_ =	shalt  }
0x6c: {  	_ =	shalt  }
0x6d: {  	_ =	shalt  }
0x6e: {  	_ =	shalt  }
0x6f: {  	_ =	shalt  }
0x70: {  	_ =	shalt  }
0x71: {  	_ =	shalt  }
0x72: {  	_ =	shalt  }
0x73: {  	_ =	shalt  }
0x74: {  	_ =	shalt  }
0x75: {  	_ =	shalt  }
0x76: {  	_ =	shalt  }
0x77: {  	_ =	shalt  }
0x78: {  	_ =	shalt  }
0x79: {  	_ =	shalt  }
0x7a: {  	_ =	shalt  }
0x7b: {  	_ =	shalt  }
0x7c: {  	_ =	shalt  }
0x7d: {  	_ =	shalt  }
0x7e: {  	_ =	shalt  }
0x7f: {  	_ =	shalt  }
0x80: {  	_ =	shalt  }
0x81: {  	_ =	shalt  }
0x82: {  	_ =	shalt  }
0x83: {  	_ =	shalt  }
0x84: {  	_ =	shalt  }
0x85: {  	_ =	shalt  }
0x86: {  	_ =	shalt  }
0x87: {  	_ =	shalt  }
.Lfunc_end0:
.L_simem_size_0:
called_computation.1_lowered:
.L_overlay_start_0:
0x88: {  	s2 =	sld [smem:$0x3FD9]  }
0x89: {  	s3 =	sld [smem:$0x3FFE];
	_ =	sdelay $0x1  }
0x8a: {  	s1 =	srdreg.scid  }
0x8b: {  	s0 =	sand.u32 $0x1, s1  }
0x8c: {  	s17 =	sshll.u32 s0, $0xA;
	s2 =	sadd.s32 s3, s2  }
0x8d: {  	s2 =	sadd.s32 s2, s17  }
0x8e: {  	[smem:$0x3FC0] =	sst s2  }
0x8f: {  	_ = 	snop  }
0x90: {  	s2 =	sld [smem:$0x3FD0];
	(tm) =	ssettm $0x1  }
0x91: {  	s18 =	sld [smem:$0x3FFB];
	_ =	sdelay $0x3  }
0x92: {  	_ =	strace s18  }
0x93: {  	s3 =	sld [smem:$0x3FFC];
	_ =	sdelay $0x3  }
0x94: {  	_ =	strace s3  }
0x95: {  	s3 =	sld [smem:$0x3FFD];
	_ =	sdelay $0x3  }
0x96: {  	_ =	strace s3  }
0x97: {  	_ =	strace $0x8FFFFFFF  }
0x98: {  	s19 =	sld [smem:$0x3FDB];
	_ =	sdelay $0x1  }
0x99: {  	s4 =	simm.s32 $_scs_section_size  }
0x9a: {  	s5 =	simm.s32 $_size__tile_overlayer_lowered;
	s6 =	simm.s32 $_tile_overlayer_lowered  }
0x9b: {  	s22 =	simm.s32 $0x1BFF;
	s21 =	sshll.u32 s6, $0x1;
	s3 =	sadd.s32 s4, s19  }
0x9c: {  	s7 =	simm.s32 $0x0;
	s20 =	sshll.u32 s5, $0x1;
	s5 =	sadd.s32 s21, s3  }
0x9d: {  	[timem:s7], [sflag:s22] =	dma.local [hbm:s5], s20  }
0x9e: {  	_ =	swait.ge [sflag:s22], s20  }
0x9f: {  	s4 =	ssub.s32 $0x0, s20;
	[sflag:s22] =	ssyncset.done $0x0  }
0xa0: {  	[sflag:s22] =	ssyncadd.s32 s4;
	_ =	sdelay $0x1  }
0xa1: {  	s23 =	simm.s32 $0x1B8B  }
0xa2: {  	_ =	swait.ge [sflag:s23], $0x1  }
0xa3: {  	[sflag:s23] =	ssyncset.done $0x0  }
0xa4: {  	s25 =	simm.s32 $0x1B8E;
	s24 =	sld [smem:$0x3FFE];
	[sflag:s23] =	ssyncadd.s32 $0xFFFFFFFF  }
0xa5: {  	s26 =	simm.s32 $execute0_lowered;
	[smem:$0x3FD2] =	sst s25  }
0xa6: {  	s5 =	sshll.u32 s26, $0x1;
	_ =	strace $0x80000049;
	[dreg:$0x1] =	wrdreg $0xFFFFFFFF  }
0xa7: {  	s28 =	simm.s32 $_size_execute0_lowered;
	s3 =	sadd.s32 s3, s5;
	[dreg:$0x0] =	wrdreg $0x0  }
0xa8: {  	s5 =	sshll.u32 s28, $0x1;
	[dreg:$0x2] =	wrdreg s3  }
0xa9: {  	[dreg:$0x3] =	wrdreg s5  }
0xaa: {  	[dreg:$0x4] =	wrdreg $0xC0  }
0xab: {  	_ =	task [dreg:s7], $0x5FFFF  }
0xac: {  	[dreg:$0x1] =	wrdreg $0xFFFFFFFF  }
0xad: {  	[dreg:$0x0] =	wrdreg $0x60  }
0xae: {  	[dreg:$0x2] =	wrdreg s2  }
0xaf: {  	[dreg:$0x3] =	wrdreg s24  }
0xb0: {  	[dreg:$0x4] =	wrdreg $0xB6000  }
0xb1: {  	[dreg:$0x5] =	wrdreg $0x9  }
0xb2: {  	_ =	task.clear_ibuf [dreg:s7], $0x6FFFF;
	_ =	strace $0x90000049  }
0xb3: {  	s29 =	simm.s32 $0x9;
	_ =	strace $0x8000004B  }
0xb4: {  	_ =	swait.ge [sflag:s29], $0x1  }
0xb5: {  	[sflag:s29] =	ssyncadd.s32 $0xFFFFFFFF  }
0xb6: {  	_ =	strace $0x9000004B  }
0xb7: {  	_ =	sfence  }
0xb8: {  	s30 =	sld [smem:$0x0];
	_ =	sdelay $0x2  }
0xb9: {  	s31 =	sshll.u32 s1, $0xD;
	s1 =	sshrl.u32 s1, $0x2  }
0xba: {  	s3 =	sand.u32 $0x4000, s31;
	s1 =	sadd.s32 s1, s30  }
0xbb: {  	s0 =	sor.u32 s3, s0;
	s1 =	sshll.u32 s1, $0x11  }
0xbc: {  	s0 =	sor.u32 s1, s0  }
0xbd: {  	s0 =	sadd.s32 $0x8F2B, s0  }
0xbe: {  	[sflag:s0] =	ssyncadd.remote.s32 $0x1  }
0xbf: {  	_ =	sfence.sel $0xFFFF  }
0xc0: {  	[dreg:$0x0] =	wrdreg $0xFFFFFFFF;
	(pc) =	sbr.abs _section_cstart, $3  }
0xc1: {  	[dreg:$0x1] =	wrdreg $0xFFFFFFFF  }
0xc2: {  	_ =	task.clear_ibuf [dreg:s7], $0x2FFFF;
	_ =	strace $0x9FFFFFFF  }
0xc3: {  	(tm) =	ssettm $0x7FFFFFFF  }
tec
execute0_lowered:
.L_overlay_start_1:
0x0: {  	(tag) =	ssettag $0x1  }
0x1: {  	s0 =	rddreg [dreg:$0x0]  }
0x2: {  	s1 =	rddreg [dreg:$0x1];
	s2 =	srdreg.scid  }
0x3: {  	s12 =	stileid.u32;
	s3 =	rddreg [dreg:$0x2];
	s4 =	simm.s32 $0x0  }
0x4: {  	s28 =	simm.s32 $0xB0;
	s29 =	simm.s32 $0x2;
	s30 =	simm.s32 $0x3  }
0x5: {  	s31 =	simm.s32 $0x5E00;
	s2 =	sand.u32 $0x1, s2;
	s9 =	smul.u32 $0x4F000, s12  }
0x6: {  	s5 =	sshll.u32 s12, $0x1;
	[smem:$0x7FF] =	sst s4;
	s22 =	smul.u32 $0x13800, s12  }
0x7: {  	s6 =	sadd.s32 $0x2C00, s1;
	s1 =	sadd.s32 $0x16600, s1;
	s11 =	smul.u32 $0x4E000, s12  }
0x8: {  	s5 =	sor.u32 s2, s5;
	s8 =	ssub.s32 $0x2, s2;
	s2 =	smul.u32 $0x138800, s2  }
0x9: {  	p0 =	sne.s32 s12, $0x0;
	_ =	strace $0x8000004A;
	s5 =	smul.u32 $0x2710, s5  }
0xa: {  	s10 =	sshrl.u32 s8, $0x1;
	s9 =	sshrl.u32 s9, $0x2;
	s11 =	sshrl.u32 s11, $0x2  }
0xb: {  	s8 =	ssub.s32 s8, s10;
	s10 =	sadd.s32 s9, s3;
	s9 =	sadd.s32 s22, s2  }
0xc: {  	s2 =	sshrl.u32 s2, $0x3;
	s25 =	sadd.s32 s11, s3;
	s22 =	simm.s32 $0x600  }
0xd: {  	s7 =	sshrl.u32 s5, $0x3;
	s21 =	sadd.s32 $0x5800, s10;
	s23 =	sadd.s32 $0xB000, s10  }
0xe: {  	s24 =	sadd.s32 $0x10800, s10;
	s15 =	sadd.s32 $0x210, s5;
	[dreg:$0x8] =	wrdreg s21  }
0xf: {  	s9 =	sshrl.u32 s9, $0x3;
	s2 =	sadd.s32 s1, s2;
	[dreg:$0x9] =	wrdreg s23  }
0x10: {  	s26 =	smax.u32 s8, $0x1;
	s8 =	simm.s32 $0x6;
	[dreg:$0xa] =	wrdreg s24  }
0x11: {  	s7 =	sadd.s32 s6, s7;
	s1 =	sadd.s32 s1, s9;
	[dreg:$0xd] =	wrdreg s26  }
0x12: {  	s2 =	sadd.s32 $0x27000, s2;
	s21 =	simm.s32 $0x300;
	[dreg:$0x4] =	wrdreg s7  }
0x13: {  	s23 =	simm.s32 $0x7;
	s26 =	simm.s32 $0x1;
	[dreg:$0xb] =	wrdreg s1  }
0x14: {  	s9 =	simm.s32 $0x0;
	s19 =	sadd.s32 $0x9C40, s7;
	[dreg:$0xc] =	wrdreg s2  }
.Ltmp0:
0x15: {  	s20 =	sadd.s32 $0x16, s7;
	[dreg:$0x5] =	wrdreg s19;
	(pc) =	sbr.rel .LBB2_1-.Ltmp0, $4  }
0x16: {  	s24 =	simm.s32 $0x200;
	s7 =	sadd.s32 $0x9C56, s7;
	[dreg:$0x6] =	wrdreg s20  }
0x17: {  	s2 =	sadd.s32 $0x138000, s3;
	s1 =	sshrl.u32 s25, $0x3;
	[dreg:$0x7] =	wrdreg s7  }
0x18: {  	v0 =	vlaneseq.u32;
	s20 =	simm.s32 $0x100;
	[dreg:$0xe] =	wrdreg s1;
	s25 =	sshrl.u32 @!p0 s2, $0x3  }
0x19: {  	v1 =	vimm.f32 $0.0e+00;
	v2 =	vor.u32 $0x2710, v0;
	s19 =	simm.s32 $0x4;
	s2 =	simm.s32 $0x500;
	s1 =	simm.s32 $0x5  }
.LBB2_12:
0x1a: {  	s7 =	simm.s32 $0x400  }
0x1b: {  	[spmem:s3] =	stream.indirect.scatter.add.f32 [tilespmem:s22], [sflag:$0x5], $0x80, s7, s28, $0xb8;
	[tilespmem:$0x1F200] =	vst v63  }
0x1c: {  	_ =	swait.ge [sflag:s19], $0x5800  }
0x1d: {  	[sflag:s19] =	ssyncset.done $0x0  }
0x1e: {  	[sflag:s19] =	ssyncadd.s32 $0xFFFFA800  }
0x1f: {  	[spmem:s3] =	stream.indirect.scatter.add.f32 [tilespmem:s31], [sflag:$0x6], $0x80, s2, s28, $0xb8;
	[tilespmem:$0x1F200] =	vst v63  }
0x20: {  	_ =	swait.ge [sflag:s1], $0x5800  }
0x21: {  	[sflag:s1] =	ssyncset.done $0x0  }
0x22: {  	[sflag:s1] =	ssyncadd.s32 $0xFFFFA800  }
0x23: {  	_ =	swait.ge [sflag:s8], $0x5800  }
0x24: {  	[sflag:s8] =	ssyncset.done $0x0  }
0x25: {  	[sflag:s8] =	ssyncadd.s32 $0xFFFFA800  }
0x26: {  	s17 =	stileid.u32;
	[bflag:$0x0] =	sbarrier.arrive $0xFFFF  }
0x27: {  	s7 =	sshll.u32 s17, $0x6;
	s11 =	rddreg [dreg:$0xb]  }
0x28: {  	s7 =	sor.u32 $0x1C07, s7;
	s12 =	rddreg [dreg:$0xe]  }
0x29: {  	[hbm:s11], [sflag:s7] =	dma.local [spmem:s12], $0x2700  }
0x2a: {  	_ =	swait.ge [sflag:s23], $0x2700  }
0x2b: {  	[sflag:s23] =	ssyncset.done $0x0  }
0x2c: {  	s11 =	rddreg [dreg:$0xc];
	[sflag:s23] =	ssyncadd.s32 $0xFFFFD900  }
0x2d: {  	[hbm:s11], [sflag:s7] =	dma.local @!p0 [spmem:s25], $0x100  }
0x2e: {  	s7 =	simm.s32 @!p0 $0x7  }
0x2f: {  	_ =	swait.ge @!p0 [sflag:s7], $0x100  }
0x30: {  	s9 =	sadd.s32 $0x1, s9;
	s18 =	rddreg [dreg:$0xd]  }
0x31: {  	p1 =	sne.s32 s9, s18  }
.Ltmp1:
0x32: {  	_ = 	snop;
	(pc) =	sbr.rel @!p1 .LBB2_13-.Ltmp1, $3  }
0x33: {  	_ =	sdelay $0x1  }
0x34: {  	[sflag:s7] =	ssyncset.done @!p0 $0x0  }
0x35: {  	[sflag:s7] =	ssyncadd.s32 @!p0 $0xFFFFFF00  }
.LBB2_1:
0x36: {  	s7 =	rddreg [dreg:$0x4]  }
0x37: {  	[tilespmem:s4], [sflag:$0x1] =	stream.linear.gather [hbm4b:s7+s4], $0xB0, $0x38;
	[tilespmem:$0x1F200] =	vst v63  }
0x38: {  	s16 =	rddreg [dreg:$0x5];
	s11 =	simm.s32 $0x200  }
0x39: {  	[tilespmem:s11], [sflag:$0x1] =	stream.linear.gather [hbm4b:s16+s4], $0xB0, $0x38;
	[tilespmem:$0x1F200] =	vst v63  }
0x3a: {  	s17 =	rddreg [dreg:$0x6]  }
0x3b: {  	[tilespmem:s20], [sflag:$0x2] =	stream.linear.gather [hbm4b:s17+s4], $0xB0, $0x38;
	[tilespmem:$0x1F200] =	vst v63  }
0x3c: {  	s18 =	rddreg [dreg:$0x7];
	s12 =	simm.s32 $0x200;
	s11 =	simm.s32 $0x0  }
0x3d: {  	[tilespmem:s21], [sflag:$0x2] =	stream.linear.gather [hbm4b:s18+s4], $0xB0, $0x38;
	[tilespmem:$0x1F200] =	vst v63  }
.LBB2_2:
0x3e: {  	p1 =	sne.s32 s12, $0x15E00;
	[tilespmem:s11+$0x670] =	vst v1  }
0x3f: {  	[tilespmem:s11+$0x600] =	vst v1  }
0x40: {  	[tilespmem:s11+$0x610] =	vst v1  }
.Ltmp2:
0x41: {  	[tilespmem:s11+$0x620] =	vst v1;
	(pc) =	sbr.rel @p1 .LBB2_2-.Ltmp2, $4  }
0x42: {  	[tilespmem:s11+$0x630] =	vst v1  }
0x43: {  	[tilespmem:s11+$0x640] =	vst v1  }
0x44: {  	[tilespmem:s11+$0x650] =	vst v1  }
0x45: {  	[tilespmem:s11+$0x660] =	vst v1;
	s11 =	sshra.s32 s12, $0x2;
	s12 =	sadd.s32 $0x200, s12  }
0x46: {  	[tilespmem:s11+$0x670] =	vst v1  }
0x47: {  	[tilespmem:s11+$0x600] =	vst v1  }
0x48: {  	[tilespmem:s11+$0x610] =	vst v1  }
0x49: {  	[tilespmem:s11+$0x620] =	vst v1  }
0x4a: {  	[tilespmem:s11+$0x630] =	vst v1  }
0x4b: {  	[tilespmem:s11+$0x640] =	vst v1  }
0x4c: {  	[tilespmem:s11+$0x650] =	vst v1  }
0x4d: {  	[tilespmem:s11+$0x660] =	vst v1  }
0x4e: {  	[spmem:s10] =	stream.linear.scatter [tilespmem:s22], [sflag:$0x7], $0x5800, $0x38;
	[tilespmem:$0x1F200] =	vst v63  }
0x4f: {  	_ =	swait.ge [sflag:s23], $0x5800  }
0x50: {  	[sflag:s23] =	ssyncset.done $0x0  }
0x51: {  	s7 =	rddreg [dreg:$0x8];
	[sflag:s23] =	ssyncadd.s32 $0xFFFFA800  }
0x52: {  	[spmem:s7] =	stream.linear.scatter [tilespmem:s22], [sflag:$0x7], $0x5800, $0x38;
	[tilespmem:$0x1F200] =	vst v63  }
0x53: {  	_ =	swait.ge [sflag:s23], $0x5800  }
0x54: {  	[sflag:s23] =	ssyncset.done $0x0  }
0x55: {  	s16 =	rddreg [dreg:$0x9];
	[sflag:s23] =	ssyncadd.s32 $0xFFFFA800  }
0x56: {  	[spmem:s16] =	stream.linear.scatter [tilespmem:s22], [sflag:$0x7], $0x5800, $0x38;
	[tilespmem:$0x1F200] =	vst v63  }
0x57: {  	_ =	swait.ge [sflag:s23], $0x5800  }
0x58: {  	[sflag:s23] =	ssyncset.done $0x0  }
0x59: {  	s17 =	rddreg [dreg:$0xa];
	[sflag:s23] =	ssyncadd.s32 $0xFFFFA800  }
0x5a: {  	[spmem:s17] =	stream.linear.scatter [tilespmem:s22], [sflag:$0x7], $0x3400, $0x38;
	[tilespmem:$0x1F200] =	vst v63  }
0x5b: {  	_ =	swait.ge [sflag:s23], $0x3400  }
0x5c: {  	[sflag:s23] =	ssyncset.done $0x0  }
0x5d: {  	[sflag:s23] =	ssyncadd.s32 $0xFFFFCC00  }
0x5e: {  	[bflag:$0x0] =	sbarrier.arrive $0xFFFF  }
0x5f: {  	_ =	swait.ge [sflag:s26], $0xB0  }
0x60: {  	[sflag:s26] =	ssyncset.done $0x0  }
0x61: {  	[sflag:s26] =	ssyncadd.s32 $0xFFFFFF50  }
0x62: {  	_ =	swait.ge [sflag:s26], $0xB0  }
0x63: {  	[sflag:s26] =	ssyncset.done $0x0  }
0x64: {  	s18 =	simm.s32 $0x200;
	[sflag:s26] =	ssyncadd.s32 $0xFFFFFF50  }
0x65: {  	v3 =	vld [tilespmem:s18+$0x0];
	_ =	sdelay $0x3  }
0x66: {  	p1 =	por $0x1, $0x1  }
0x67: {  	s11 =	simm.s32 $0x400;
	v3 =	vpsel p1, v3, v2  }
0x68: {  	s12 =	simm.s32 $0x210;
	[tilespmem:s11+$0x0] =	vst v3  }
0x69: {  	s13 =	simm.s32 $0x10;
	s14 =	simm.s32 $0x20;
	v3 =	vld [tilespmem:s12+$0x0]  }
.LBB2_4:
0x6a: {  	p1 =	sne.s32 s14, $0xA0;
	_ =	sdelay $0x1  }
.Ltmp3:
0x6b: {  	(pc) =	sbr.rel @p1 .LBB2_4-.Ltmp3, $4  }
0x6c: {  	p2 =	slt.u32 s13, $0x2710;
	s13 =	smov.u32 s14  }
0x6d: {  	s11 =	sadd.s32 $0x10, s11;
	v3 =	vpsel p2, v3, v2  }
0x6e: {  	s12 =	sadd.s32 $0x10, s12;
	[tilespmem:s11+$0x0] =	vst v3  }
0x6f: {  	s14 =	sadd.s32 $0x10, s14;
	v3 =	vld [tilespmem:s12+$0x0]  }
0x70: {  	_ =	sdelay $0x2  }
0x71: {  	p1 =	slt.u32 s13, $0x2710  }
0x72: {  	s11 =	sadd.s32 $0x10, s11;
	v3 =	vpsel p1, v3, v2  }
0x73: {  	s12 =	simm.s32 $0x0;
	[tilespmem:s11+$0x0] =	vst v3;
	s11 =	simm.s32 $0x0  }
0x74: {  	[tilespmem:s22], [sflag:$0x3] =	stream.indirect.gather [hbm4b:s0+s28], $0x80, s11, s28, $0xb8;
	[tilespmem:$0x1F200] =	vst v63  }
.LBB2_6:
0x75: {  	_ =	swait.ge [sflag:s29], $0xB0  }
0x76: {  	[sflag:s29] =	ssyncset.done $0x0  }
0x77: {  	s13 =	smul.u32 $0x160, s12;
	[sflag:s29] =	ssyncadd.s32 $0xFFFFFF50  }
0x78: {  	_ =	swait.ge [sflag:s29], $0xB0  }
0x79: {  	p1 =	seq.s32 s12, $0x0;
	s14 =	sadd.s32 $0xB0, s13;
	[sflag:s29] =	ssyncset.done $0x0  }
0x7a: {  	s17 =	simm.s32 @!p1 $0x6;
	s16 =	sadd.s32 s5, s14;
	[sflag:s29] =	ssyncadd.s32 $0xFFFFFF50  }
0x7b: {  	p2 =	slt.s32 s16, $0x4E150;
	s18 =	smov.u32 s16;
	_ =	swait.ge @!p1 [sflag:s17], $0x5800  }
0x7c: {  	s18 =	simm.s32 @!p2 $0x4E150;
	[sflag:s17] =	ssyncset.done @!p1 $0x0  }
0x7d: {  	s16 =	ssub.s32 s16, s18;
	s18 =	simm.s32 $0x300;
	[sflag:s17] =	ssyncadd.s32 @!p1 $0xFFFFA800  }
0x7e: {  	s14 =	ssub.s32 s14, s16;
	v5 =	vld [tilespmem:s18+$0x0]  }
0x7f: {  	v6 =	vor.u32 s11, v0;
	v3 =	vmov s14  }
0x80: {  	v4 =	vmov s16;
	v7 =	vadd.s32 v3, v6  }
0x81: {  	vm0 =	vge.u32 v6, v4;
	vm1 =	vlt.s32 v7, $0x2710  }
0x82: {  	vm0 =	vmand vm0, vm1  }
0x83: {  	s14 =	simm.s32 $0x500;
	v5 =	vsel vm0, v5, v2  }
0x84: {  	s16 =	simm.s32 $0x310;
	[tilespmem:s14+$0x0] =	vst v5  }
0x85: {  	s17 =	simm.s32 $0x10;
	s18 =	simm.s32 $0x20;
	v5 =	vld [tilespmem:s16+$0x0]  }
.LBB2_7:
0x86: {  	p1 =	sne.s32 s18, $0xA0;
	v6 =	vor.u32 s17, v0;
	s17 =	smov.u32 s18  }
0x87: {  	v7 =	vadd.s32 v3, v6  }
.Ltmp4:
0x88: {  	vm0 =	vge.u32 v6, v4;
	vm1 =	vlt.s32 v7, $0x2710;
	(pc) =	sbr.rel @p1 .LBB2_7-.Ltmp4, $4  }
0x89: {  	vm0 =	vmand vm0, vm1  }
0x8a: {  	s14 =	sadd.s32 $0x10, s14;
	v5 =	vsel vm0, v5, v2  }
0x8b: {  	s16 =	sadd.s32 $0x10, s16;
	[tilespmem:s14+$0x0] =	vst v5  }
0x8c: {  	s18 =	sadd.s32 $0x10, s18;
	v5 =	vld [tilespmem:s16+$0x0]  }
0x8d: {  	v6 =	vor.u32 s17, v0  }
0x8e: {  	v3 =	vadd.s32 v3, v6  }
0x8f: {  	vm0 =	vge.u32 v6, v4;
	vm1 =	vlt.s32 v3, $0x2710  }
0x90: {  	vm0 =	vmand vm0, vm1  }
0x91: {  	s14 =	sadd.s32 $0x10, s14;
	p1 =	seq.s32 s12, $0x1C;
	v3 =	vsel vm0, v5, v2  }
.Ltmp5:
0x92: {  	[tilespmem:s14+$0x0] =	vst v3;
	(pc) =	sbr.rel @p1 .LBB2_12-.Ltmp5, $4  }
0x93: {  	_ =	swait.ge [sflag:s30], $0x5800  }
0x94: {  	[sflag:s30] =	ssyncset.done $0x0  }
0x95: {  	[sflag:s30] =	ssyncadd.s32 $0xFFFFA800  }
0x96: {  	[tilespmem:s31], [sflag:$0x4] =	stream.indirect.gather [hbm4b:s0+s28], $0x80, s20, s28, $0xb8;
	[tilespmem:$0x1F200] =	vst v63  }
0x97: {  	s16 =	sadd.s32 $0x160, s13  }
0x98: {  	s17 =	sadd.s32 s5, s16  }
0x99: {  	p1 =	slt.s32 s17, $0x4E150;
	s18 =	smov.u32 s17  }
0x9a: {  	s18 =	simm.s32 @!p1 $0x4E150  }
0x9b: {  	s14 =	sshrl.u32 s18, $0x3  }
0x9c: {  	s7 =	simm.s32 $0x0;
	s14 =	sadd.s32 s6, s14  }
0x9d: {  	[tilespmem:s7], [sflag:$0x1] =	stream.linear.gather [hbm4b:s14+s7], $0xB0, $0x38;
	[tilespmem:$0x1F200] =	vst v63  }
0x9e: {  	s14 =	sadd.s32 $0x9C40, s14  }
0x9f: {  	[tilespmem:s24], [sflag:$0x1] =	stream.linear.gather [hbm4b:s14+s7], $0xB0, $0x38;
	[tilespmem:$0x1F200] =	vst v63  }
0xa0: {  	s14 =	simm.s32 $0x400  }
0xa1: {  	[spmem:s3] =	stream.indirect.scatter.add.f32 [tilespmem:s22], [sflag:$0x5], $0x80, s14, s28, $0xb8;
	[tilespmem:$0x1F200] =	vst v63  }
0xa2: {  	_ =	swait.ge [sflag:s19], $0x5800  }
0xa3: {  	[sflag:s19] =	ssyncset.done $0x0  }
0xa4: {  	[sflag:s19] =	ssyncadd.s32 $0xFFFFA800  }
0xa5: {  	[spmem:s3] =	stream.indirect.scatter.add.f32 [tilespmem:s31], [sflag:$0x6], $0x80, s2, s28, $0xb8;
	[tilespmem:$0x1F200] =	vst v63  }
0xa6: {  	_ =	swait.ge [sflag:s1], $0x5800  }
0xa7: {  	[sflag:s1] =	ssyncset.done $0x0  }
0xa8: {  	[sflag:s1] =	ssyncadd.s32 $0xFFFFA800  }
0xa9: {  	_ =	swait.ge [sflag:s26], $0xB0  }
0xaa: {  	[sflag:s26] =	ssyncset.done $0x0  }
0xab: {  	[sflag:s26] =	ssyncadd.s32 $0xFFFFFF50  }
0xac: {  	_ =	swait.ge [sflag:s26], $0xB0  }
0xad: {  	[sflag:s26] =	ssyncset.done $0x0  }
0xae: {  	s17 =	ssub.s32 s17, s18;
	[sflag:s26] =	ssyncadd.s32 $0xFFFFFF50  }
0xaf: {  	s16 =	ssub.s32 s16, s17;
	v5 =	vld [tilespmem:s24+$0x0]  }
0xb0: {  	v6 =	vor.u32 s7, v0;
	v3 =	vmov s16  }
0xb1: {  	v4 =	vmov s17;
	v7 =	vadd.s32 v3, v6  }
0xb2: {  	vm0 =	vge.u32 v6, v4;
	vm1 =	vlt.s32 v7, $0x2710  }
0xb3: {  	vm0 =	vmand vm0, vm1  }
0xb4: {  	v5 =	vsel vm0, v5, v2  }
0xb5: {  	s16 =	simm.s32 $0x210;
	[tilespmem:s14+$0x0] =	vst v5  }
0xb6: {  	s18 =	simm.s32 $0x20;
	s17 =	simm.s32 $0x10;
	v5 =	vld [tilespmem:s16+$0x0]  }
.LBB2_10:
0xb7: {  	p1 =	sne.s32 s18, $0xA0;
	v6 =	vor.u32 s17, v0;
	s17 =	smov.u32 s18  }
0xb8: {  	v7 =	vadd.s32 v3, v6  }
.Ltmp6:
0xb9: {  	vm0 =	vge.u32 v6, v4;
	vm1 =	vlt.s32 v7, $0x2710;
	(pc) =	sbr.rel @p1 .LBB2_10-.Ltmp6, $4  }
0xba: {  	vm0 =	vmand vm0, vm1  }
0xbb: {  	s14 =	sadd.s32 $0x10, s14;
	v5 =	vsel vm0, v5, v2  }
0xbc: {  	s16 =	sadd.s32 $0x10, s16;
	[tilespmem:s14+$0x0] =	vst v5  }
0xbd: {  	s18 =	sadd.s32 $0x10, s18;
	v5 =	vld [tilespmem:s16+$0x0]  }
0xbe: {  	v6 =	vor.u32 s17, v0  }
0xbf: {  	v3 =	vadd.s32 v3, v6  }
0xc0: {  	vm0 =	vge.u32 v6, v4;
	vm1 =	vlt.s32 v3, $0x2710  }
0xc1: {  	vm0 =	vmand vm0, vm1  }
0xc2: {  	s7 =	sadd.s32 $0x10, s14;
	v3 =	vsel vm0, v5, v2  }
0xc3: {  	[tilespmem:s7+$0x0] =	vst v3;
	s7 =	sadd.s32 s13, s15  }
0xc4: {  	[tilespmem:s22], [sflag:$0x3] =	stream.indirect.gather [hbm4b:s0+s28], $0x80, s4, s28, $0xb8;
	[tilespmem:$0x1F200] =	vst v63  }
0xc5: {  	p1 =	slt.s32 s7, $0x4E150  }
0xc6: {  	s7 =	simm.s32 @!p1 $0x4E150  }
.Ltmp7:
0xc7: {  	s7 =	sshrl.u32 s7, $0x3;
	(pc) =	sbr.rel .LBB2_6-.Ltmp7, $4  }
0xc8: {  	s7 =	sadd.s32 s6, s7  }
0xc9: {  	[tilespmem:s20], [sflag:$0x2] =	stream.linear.gather [hbm4b:s7+s4], $0xB0, $0x38;
	[tilespmem:$0x1F200] =	vst v63  }
0xca: {  	s12 =	sadd.s32 $0x1, s12;
	s7 =	sadd.s32 $0x9C40, s7  }
0xcb: {  	[tilespmem:s21], [sflag:$0x2] =	stream.linear.gather [hbm4b:s7+s4], $0xB0, $0x38;
	[tilespmem:$0x1F200] =	vst v63  }
.LBB2_13:
0xcc: {  	_ =	sfence.sel $0x180000  }
0xcd: {  	[bflag:$0x0] =	sbarrier.arrive $0xFFFF  }
0xce: {  	_ =	strace $0x9000004A  }
0xcf: {  	[bflag:$0x2] =	sbarrier.arrive $0xFFFF  }
0xd0: {  	s0 =	rddreg [dreg:$0x3]  }
0xd1: {  	s0 =	sadd.s32 @!p0 $0x100000, s0  }
0xd2: {  	[sflag:s0] =	ssyncadd.tile.s32 @!p0 $0x1;
	_ =	shalt  }
.Lfunc_end2:
_tile_overlayer_lowered:
.L_overlay_start_2:
0xd3: {  	(tag) =	ssettag $0x2  }
0xd4: {  	s0 =	rddreg [dreg:$0x0];
	s2 =	stileid.u32  }
0xd5: {  	s1 =	rddreg [dreg:$0x1];
	p0 =	sne.s32 s2, $0x0  }
0xd6: {  	s3 =	rddreg [dreg:$0x2];
	[bflag:$0x3] =	sbarrier.arrive $0xFFFF;
	s2 =	simm.s32 @!p0 $0x1C07  }
0xd7: {  	[timem:s3], [sflag:s2] =	dma.local @!p0 [hbm:s0], s1  }
0xd8: {  	s0 =	simm.s32 @!p0 $0x7  }
0xd9: {  	_ =	swait.ge @!p0 [sflag:s0], s1  }
0xda: {  	s1 =	ssub.s32 @!p0 $0x0, s1;
	[sflag:s0] =	ssyncset.done @!p0 $0x0  }
0xdb: {  	[sflag:s0] =	ssyncadd.s32 @!p0 s1  }
0xdc: {  	[bflag:$0x3] =	sbarrier.arrive $0xFFFF  }
0xdd: {  	_ =	shalt  }

// kernel: kernel.8.cloned.1.call-start
scs
__scs_entry_jumppad:
0x0: {  	(pc) =	sbr.rel $0x88, $3  }
0x1: {  	(tag) =	ssettag $0x0;
	lr =	simm.s32 $0x1  }
0x2: {  	[smem:$0x3F99] =	sst lr;
	_ =	strace $0xD0000000  }
0x3: {  	_ = 	snop  }
0x4: {  	_ = 	snop  }
0x5: {  	_ = 	snop  }
0x6: {  	_ = 	snop  }
0x7: {  	_ = 	snop  }
__scs_overlays_trampoline_lowered:
0x8: {  	[smem:$0x3FA8] =	sst s0  }
0x9: {  	[smem:$0x3FA9] =	sst s1  }
0xa: {  	[smem:$0x3FAA] =	sst s2  }
0xb: {  	[smem:$0x3FAB] =	sst s3  }
0xc: {  	[smem:$0x3FAC] =	sst s4  }
0xd: {  	[smem:$0x3FAD] =	sst s5  }
0xe: {  	[smem:$0x3FAE] =	sst s6  }
0xf: {  	[smem:$0x3FAF] =	sst s7  }
0x10: {  	[smem:$0x3FB0] =	sst s8  }
0x11: {  	[smem:$0x3FB1] =	sst s9;
	s0 =	simm.s32 @!p0 $0x0  }
0x12: {  	s1 =	sld [smem:$0x3F97];
	s0 =	simm.s32 @p0 $0x1  }
0x13: {  	[smem:$0x3FB2] =	sst s0;
	s0 =	simm.s32 @!p1 $0x0  }
0x14: {  	s2 =	sld [smem:$0x3F96];
	s0 =	simm.s32 @p1 $0x1  }
0x15: {  	[smem:$0x3FB3] =	sst s0;
	s0 =	simm.s32 @!p2 $0x0  }
0x16: {  	s3 =	sld [smem:$0x3FDB];
	s0 =	simm.s32 @p2 $0x1  }
0x17: {  	s4 =	simm.s32 $0x1BF5;
	[smem:$0x3FB5] =	sst s0  }
0x18: {  	s0 =	sld [smem:$0x3F98];
	_ =	swait.ge [sflag:s4], $0x0  }
0x19: {  	s7 =	sld [smem:$0x3F99]  }
0x1a: {  	s8 =	sadd.s32 $0xFFFFE003, lr  }
0x1b: {  	s9 =	sadd.s32 $0xFFFFFEF7, lr;
	s5 =	simm.s32 $0xFFFFFFFF;
	p2 =	slt.u32 s8, $0xFFFFF086  }
0x1c: {  	p1 =	slt.u32 s9, $0xF7A;
	s5 =	simm.s32 @!p2 $0x0  }
0x1d: {  	s5 =	simm.s32 @p1 $0x1;
	p0 =	seq.s32 s7, s2  }
0x1e: {  	s7 =	smul.u32 @!p0 $0xF7A, s2;
	p2 =	seq.s32 @!p0 s5, $0x0  }
0x1f: {  	s9 =	smul.u32 $0xF7A, s1;
	s8 =	simm.s32 @!p0 $0x1BF5;
	p2 =	por !p2, p0  }
0x20: {  	[sflag:s8] =	ssyncset.s32 @!p0 $0xFFFFF086;
	s6 =	sadd.s32 @!p0 s3, s7;
	s7 =	simm.s32 @!p0 $0x108  }
0x21: {  	s3 =	sadd.s32 s3, s9;
	s6 =	sadd.s32 @!p0 $0x88, s6;
	s7 =	simm.s32 @p2 $0x1082  }
0x22: {  	[simem:s7], [sflag:s8] =	dma.local @!p0 [hbm:s6], $0xF7A  }
0x23: {  	s9 =	sor.u32 $0xD0000000, s2;
	s6 =	simm.s32 $0x108;
	_ =	swait.ge @!p0 [sflag:s8], $0x0  }
0x24: {  	s3 =	sadd.s32 $0x88, s3;
	s6 =	simm.s32 @!p1 $0x1082;
	[sflag:s4] =	ssyncset.s32 $0xFFFFF086  }
0x25: {  	[simem:s6], [sflag:s4] =	dma.local [hbm:s3], $0xF7A  }
0x26: {  	[smem:$0x3F99] =	sst s1;
	(tag) =	ssettag s2;
	_ =	strace s9  }
0x27: {  	s1 =	sld [smem:$0x3FA9]  }
0x28: {  	s2 =	sld [smem:$0x3FAA]  }
0x29: {  	s4 =	sld [smem:$0x3FAC]  }
0x2a: {  	p0 =	seq.s32 s5, $0x0;
	s5 =	sld [smem:$0x3FAD]  }
0x2b: {  	s6 =	sld [smem:$0x3FAE]  }
0x2c: {  	s7 =	sld [smem:$0x3FAF]  }
0x2d: {  	s3 =	simm.s32 $0x108;
	s8 =	sld [smem:$0x3FB0]  }
0x2e: {  	s3 =	simm.s32 @!p0 $0x1082;
	s9 =	sld [smem:$0x3FB1]  }
0x2f: {  	lr =	sadd.s32 s0, s3;
	s0 =	sld [smem:$0x3FA8]  }
0x30: {  	s3 =	sld [smem:$0x3FAB]  }
0x31: {  	[smem:$0x3FB4] =	sst s10  }
0x32: {  	s10 =	sld [smem:$0x3FB2];
	_ =	sdelay $0x3  }
0x33: {  	p0 =	seq.s32 s10, $0x1;
	s10 =	sld [smem:$0x3FB4];
	_ =	sdelay $0x3  }
0x34: {  	[smem:$0x3FB4] =	sst s10  }
0x35: {  	s10 =	sld [smem:$0x3FB3];
	_ =	sdelay $0x3  }
0x36: {  	p1 =	seq.s32 s10, $0x1;
	s10 =	sld [smem:$0x3FB4];
	_ =	sdelay $0x3  }
0x37: {  	[smem:$0x3FB4] =	sst s10  }
0x38: {  	s10 =	sld [smem:$0x3FB5]  }
0x39: {  	_ = 	snop;
	(pc) =	sbr.ind lr, $3  }
0x3a: {  	_ = 	snop  }
0x3b: {  	_ = 	snop  }
0x3c: {  	p2 =	seq.s32 s10, $0x1;
	s10 =	sld [smem:$0x3FB4]  }
0x3d: {  	_ =	shalt  }
0x3e: {  	_ =	shalt  }
0x3f: {  	_ =	shalt  }
0x40: {  	_ =	shalt  }
0x41: {  	_ =	shalt  }
0x42: {  	_ =	shalt  }
0x43: {  	_ =	shalt  }
0x44: {  	_ =	shalt  }
0x45: {  	_ =	shalt  }
0x46: {  	_ =	shalt  }
0x47: {  	_ =	shalt  }
0x48: {  	_ =	shalt  }
0x49: {  	_ =	shalt  }
0x4a: {  	_ =	shalt  }
0x4b: {  	_ =	shalt  }
0x4c: {  	_ =	shalt  }
0x4d: {  	_ =	shalt  }
0x4e: {  	_ =	shalt  }
0x4f: {  	_ =	shalt  }
0x50: {  	_ =	shalt  }
0x51: {  	_ =	shalt  }
0x52: {  	_ =	shalt  }
0x53: {  	_ =	shalt  }
0x54: {  	_ =	shalt  }
0x55: {  	_ =	shalt  }
0x56: {  	_ =	shalt  }
0x57: {  	_ =	shalt  }
0x58: {  	_ =	shalt  }
0x59: {  	_ =	shalt  }
0x5a: {  	_ =	shalt  }
0x5b: {  	_ =	shalt  }
0x5c: {  	_ =	shalt  }
0x5d: {  	_ =	shalt  }
0x5e: {  	_ =	shalt  }
0x5f: {  	_ =	shalt  }
0x60: {  	_ =	shalt  }
0x61: {  	_ =	shalt  }
0x62: {  	_ =	shalt  }
0x63: {  	_ =	shalt  }
0x64: {  	_ =	shalt  }
0x65: {  	_ =	shalt  }
0x66: {  	_ =	shalt  }
0x67: {  	_ =	shalt  }
0x68: {  	_ =	shalt  }
0x69: {  	_ =	shalt  }
0x6a: {  	_ =	shalt  }
0x6b: {  	_ =	shalt  }
0x6c: {  	_ =	shalt  }
0x6d: {  	_ =	shalt  }
0x6e: {  	_ =	shalt  }
0x6f: {  	_ =	shalt  }
0x70: {  	_ =	shalt  }
0x71: {  	_ =	shalt  }
0x72: {  	_ =	shalt  }
0x73: {  	_ =	shalt  }
0x74: {  	_ =	shalt  }
0x75: {  	_ =	shalt  }
0x76: {  	_ =	shalt  }
0x77: {  	_ =	shalt  }
0x78: {  	_ =	shalt  }
0x79: {  	_ =	shalt  }
0x7a: {  	_ =	shalt  }
0x7b: {  	_ =	shalt  }
0x7c: {  	_ =	shalt  }
0x7d: {  	_ =	shalt  }
0x7e: {  	_ =	shalt  }
0x7f: {  	_ =	shalt  }
0x80: {  	_ =	shalt  }
0x81: {  	_ =	shalt  }
0x82: {  	_ =	shalt  }
0x83: {  	_ =	shalt  }
0x84: {  	_ =	shalt  }
0x85: {  	_ =	shalt  }
0x86: {  	_ =	shalt  }
0x87: {  	_ =	shalt  }
.Lfunc_end0:
.L_simem_size_0:
called_computation_lowered:
.L_overlay_start_0:
0x88: {  	s2 =	sld [smem:$0x3FD9]  }
0x89: {  	s3 =	sld [smem:$0x3FFE];
	_ =	sdelay $0x1  }
0x8a: {  	s1 =	srdreg.scid  }
0x8b: {  	s0 =	sand.u32 $0x1, s1  }
0x8c: {  	s17 =	sshll.u32 s0, $0xA;
	s2 =	sadd.s32 s3, s2  }
0x8d: {  	s2 =	sadd.s32 s2, s17  }
0x8e: {  	[smem:$0x3FC0] =	sst s2  }
0x8f: {  	_ = 	snop  }
0x90: {  	s2 =	sld [smem:$0x3FC9];
	(tm) =	ssettm $0x1  }
0x91: {  	s18 =	sld [smem:$0x3FFB];
	_ =	sdelay $0x3  }
0x92: {  	_ =	strace s18  }
0x93: {  	s3 =	sld [smem:$0x3FFC];
	_ =	sdelay $0x3  }
0x94: {  	_ =	strace s3  }
0x95: {  	s3 =	sld [smem:$0x3FFD];
	_ =	sdelay $0x3  }
0x96: {  	_ =	strace s3  }
0x97: {  	_ =	strace $0x8FFFFFFF  }
0x98: {  	s19 =	sld [smem:$0x3FDB];
	_ =	sdelay $0x1  }
0x99: {  	s4 =	simm.s32 $_scs_section_size  }
0x9a: {  	s5 =	simm.s32 $_size__tile_overlayer_lowered;
	s6 =	simm.s32 $_tile_overlayer_lowered  }
0x9b: {  	s22 =	simm.s32 $0x1BFF;
	s21 =	sshll.u32 s6, $0x1;
	s3 =	sadd.s32 s4, s19  }
0x9c: {  	s7 =	simm.s32 $0x0;
	s20 =	sshll.u32 s5, $0x1;
	s5 =	sadd.s32 s21, s3  }
0x9d: {  	[timem:s7], [sflag:s22] =	dma.local [hbm:s5], s20  }
0x9e: {  	_ =	swait.ge [sflag:s22], s20  }
0x9f: {  	s4 =	ssub.s32 $0x0, s20;
	[sflag:s22] =	ssyncset.done $0x0  }
0xa0: {  	[sflag:s22] =	ssyncadd.s32 s4;
	_ =	sdelay $0x1  }
0xa1: {  	s23 =	simm.s32 $0x1B8B  }
0xa2: {  	_ =	swait.ge [sflag:s23], $0x1  }
0xa3: {  	[sflag:s23] =	ssyncset.done $0x0  }
0xa4: {  	s25 =	simm.s32 $0x1B8E;
	s24 =	sld [smem:$0x3FFE];
	[sflag:s23] =	ssyncadd.s32 $0xFFFFFFFF  }
0xa5: {  	s26 =	simm.s32 $execute0_lowered;
	[smem:$0x3FD2] =	sst s25  }
0xa6: {  	s5 =	sshll.u32 s26, $0x1;
	_ =	strace $0x80000046;
	[dreg:$0x1] =	wrdreg $0xFFFFFFFF  }
0xa7: {  	s28 =	simm.s32 $_size_execute0_lowered;
	s3 =	sadd.s32 s3, s5;
	[dreg:$0x0] =	wrdreg $0x0  }
0xa8: {  	s5 =	sshll.u32 s28, $0x1;
	[dreg:$0x2] =	wrdreg s3  }
0xa9: {  	[dreg:$0x3] =	wrdreg s5  }
0xaa: {  	[dreg:$0x4] =	wrdreg $0xC0  }
0xab: {  	_ =	task [dreg:s7], $0x5FFFF  }
0xac: {  	[dreg:$0x1] =	wrdreg $0xFFFFFFFF  }
0xad: {  	[dreg:$0x0] =	wrdreg $0x60  }
0xae: {  	[dreg:$0x2] =	wrdreg s2  }
0xaf: {  	[dreg:$0x3] =	wrdreg s24  }
0xb0: {  	[dreg:$0x4] =	wrdreg $0xB6000  }
0xb1: {  	[dreg:$0x5] =	wrdreg $0x1F5800  }
0xb2: {  	[dreg:$0x6] =	wrdreg $0x9  }
0xb3: {  	_ =	task.clear_ibuf [dreg:s7], $0x7FFFF;
	_ =	strace $0x90000046  }
0xb4: {  	s29 =	simm.s32 $0x9;
	_ =	strace $0x80000048  }
0xb5: {  	_ =	swait.ge [sflag:s29], $0x1  }
0xb6: {  	[sflag:s29] =	ssyncadd.s32 $0xFFFFFFFF  }
0xb7: {  	_ =	strace $0x90000048  }
0xb8: {  	_ =	sfence  }
0xb9: {  	s30 =	sld [smem:$0x0];
	_ =	sdelay $0x2  }
0xba: {  	s31 =	sshll.u32 s1, $0xD;
	s1 =	sshrl.u32 s1, $0x2  }
0xbb: {  	s3 =	sand.u32 $0x4000, s31;
	s1 =	sadd.s32 s1, s30  }
0xbc: {  	s0 =	sor.u32 s3, s0;
	s1 =	sshll.u32 s1, $0x11  }
0xbd: {  	s0 =	sor.u32 s1, s0  }
0xbe: {  	s0 =	sadd.s32 $0x8F2B, s0  }
0xbf: {  	[sflag:s0] =	ssyncadd.remote.s32 $0x1  }
0xc0: {  	_ =	sfence.sel $0xFFFF  }
0xc1: {  	[dreg:$0x0] =	wrdreg $0xFFFFFFFF;
	(pc) =	sbr.abs _section_cstart, $3  }
0xc2: {  	[dreg:$0x1] =	wrdreg $0xFFFFFFFF  }
0xc3: {  	_ =	task.clear_ibuf [dreg:s7], $0x2FFFF;
	_ =	strace $0x9FFFFFFF  }
0xc4: {  	(tm) =	ssettm $0x7FFFFFFF  }
0xc5: {  	_ =	shalt  }
tec
execute0_lowered:
.L_overlay_start_1:
0x0: {  	(tag) =	ssettag $0x1  }
0x1: {  	s1 =	rddreg [dreg:$0x0]  }
0x2: {  	s0 =	rddreg [dreg:$0x1]  }
0x3: {  	s2 =	rddreg [dreg:$0x2]  }
0x4: {  	s3 =	rddreg [dreg:$0x3]  }
0x5: {  	s4 =	srdreg.scid;
	s13 =	stileid.u32  }
0x6: {  	s5 =	simm.s32 $0x0;
	s28 =	simm.s32 $0x600;
	s29 =	simm.s32 $0x7  }
0x7: {  	s31 =	simm.s32 $0x1;
	s30 =	simm.s32 $0x3;
	s12 =	smul.u32 $0x4F000, s13  }
0x8: {  	s4 =	sand.u32 $0x1, s4;
	s6 =	sshll.u32 s13, $0x1;
	s19 =	smul.u32 $0x9E0, s13  }
0x9: {  	[smem:$0x7FF] =	sst s5;
	s7 =	sadd.s32 $0x2C00, s0;
	s22 =	smul.u32 $0x13800, s13  }
0xa: {  	s8 =	sadd.s32 $0x16600, s0;
	s23 =	smul.u32 $0x4E000, s13;
	p0 =	sne.s32 s13, $0x0  }
0xb: {  	s13 =	simm.s32 $0x500;
	s6 =	sor.u32 s4, s6;
	_ =	strace $0x80000047  }
0xc: {  	s9 =	sshll.u32 s4, $0x4;
	s10 =	ssub.s32 $0x2, s4;
	s4 =	smul.u32 $0x138800, s4  }
0xd: {  	s6 =	smul.u32 $0x2710, s6;
	s14 =	sshrl.u32 s10, $0x1;
	s16 =	sshrl.u32 s12, $0x2  }
0xe: {  	s0 =	sadd.s32 s9, s0;
	s9 =	ssub.s32 s10, s14;
	s18 =	sadd.s32 s16, s2  }
0xf: {  	s10 =	sshrl.u32 s19, $0x2;
	s0 =	sadd.s32 $0x64800, s0;
	[dreg:$0x8] =	wrdreg s18  }
0x10: {  	s14 =	simm.s32 $0x5;
	s20 =	sadd.s32 $0x5800, s18;
	[dreg:$0x10] =	wrdreg s0  }
0x11: {  	s16 =	simm.s32 $0x0;
	s21 =	sadd.s32 $0xB000, s18;
	[dreg:$0xa] =	wrdreg s20  }
0x12: {  	s11 =	sshrl.u32 s6, $0x3;
	s12 =	sadd.s32 $0x10800, s18;
	[dreg:$0xb] =	wrdreg s21  }
0x13: {  	s10 =	sadd.s32 s10, s3;
	s25 =	smax.u32 s9, $0x1;
	[dreg:$0xc] =	wrdreg s12  }
0x14: {  	s9 =	simm.s32 $0x400;
	s11 =	sadd.s32 s7, s11;
	[dreg:$0xd] =	wrdreg s10  }
0x15: {  	s10 =	sshrl.u32 s23, $0x2;
	[dreg:$0x11] =	wrdreg s25;
	s23 =	simm.s32 $0x100  }
0x16: {  	s12 =	simm.s32 $0x4;
	s15 =	sadd.s32 $0x9C40, s11;
	[dreg:$0x5] =	wrdreg s11  }
0x17: {  	s17 =	sadd.s32 $0x16, s11;
	s11 =	sadd.s32 $0x9C56, s11;
	[dreg:$0x6] =	wrdreg s15  }
0x18: {  	s24 =	sadd.s32 s10, s2;
	s10 =	simm.s32 $0x1F200;
	[dreg:$0x7] =	wrdreg s17  }
0x19: {  	[dreg:$0x9] =	wrdreg s11;
	s17 =	sadd.s32 $0x210, s6;
	s11 =	sadd.s32 s22, s4  }
0x1a: {  	s4 =	sshrl.u32 s4, $0x3;
	s26 =	sshrl.u32 s24, $0x3;
	s22 =	simm.s32 $0x2  }
.Ltmp0:
0x1b: {  	s15 =	simm.s32 $0x6;
	s4 =	sadd.s32 s8, s4;
	(pc) =	sbr.rel .LBB2_1-.Ltmp0, $4  }
0x1c: {  	s11 =	sshrl.u32 s11, $0x3;
	[dreg:$0x12] =	wrdreg s26;
	s4 =	sadd.s32 $0x27000, s4  }
0x1d: {  	s8 =	sadd.s32 s8, s11;
	[dreg:$0xf] =	wrdreg s4;
	s4 =	sadd.s32 $0x138000, s2  }
0x1e: {  	v0 =	vlaneseq.u32;
	s26 =	simm.s32 $0x300;
	[dreg:$0xe] =	wrdreg s8;
	s0 =	sshrl.u32 @!p0 s4, $0x3  }
0x1f: {  	v1 =	vimm.f32 $0.0e+00;
	v2 =	vimm.f32 $1.000000000e+00;
	v3 =	vor.u32 $0x2710, v0;
	s4 =	simm.s32 $0x5E00;
	[dreg:$0x13] =	wrdreg s0;
	s0 =	simm.s32 $0xB0  }
.LBB2_12:
0x20: {  	_ =	swait.ge [sflag:s15], $0x5800  }
0x21: {  	[sflag:s15] =	ssyncset.done $0x0  }
0x22: {  	[sflag:s15] =	ssyncadd.s32 $0xFFFFA800  }
0x23: {  	_ =	swait.ge [sflag:s15], $0xB0  }
0x24: {  	[sflag:s15] =	ssyncset.done $0x0  }
0x25: {  	[sflag:s15] =	ssyncadd.s32 $0xFFFFFF50  }
0x26: {  	s8 =	stileid.u32;
	[bflag:$0x0] =	sbarrier.arrive $0xFFFF  }
0x27: {  	s8 =	sshll.u32 s8, $0x6;
	s11 =	rddreg [dreg:$0xe]  }
0x28: {  	s8 =	sor.u32 $0x1C07, s8;
	s18 =	rddreg [dreg:$0x12]  }
0x29: {  	[hbm:s11], [sflag:s8] =	dma.local [spmem:s18], $0x2700  }
0x2a: {  	_ =	swait.ge [sflag:s29], $0x2700  }
0x2b: {  	[sflag:s29] =	ssyncset.done $0x0;
	s11 =	rddreg [dreg:$0xf]  }
0x2c: {  	s18 =	rddreg [dreg:$0x13];
	[sflag:s29] =	ssyncadd.s32 $0xFFFFD900  }
0x2d: {  	[hbm:s11], [sflag:s8] =	dma.local @!p0 [spmem:s18], $0x100  }
0x2e: {  	s11 =	simm.s32 @!p0 $0x7  }
0x2f: {  	s19 =	simm.s32 @!p0 $0x1;
	_ =	swait.ge @!p0 [sflag:s11], $0x100  }
0x30: {  	s20 =	simm.s32 @!p0 $0x20;
	s21 =	simm.s32 @!p0 $0x10;
	[sflag:s11] =	ssyncset.done @!p0 $0x0  }
0x31: {  	s18 =	sshrl.u32 @!p0 s3, $0x3;
	s24 =	rddreg [dreg:$0x10];
	[sflag:s11] =	ssyncadd.s32 @!p0 $0xFFFFFF00  }
0x32: {  	[hbm:s24@s20], [sflag:s8] =	dma.strided @!p0 [spmem:s18@s21], $0x4F0, s19, $0x10   }
0x33: {  	_ =	swait.ge @!p0 [sflag:s11], $0x4F0  }
0x34: {  	s16 =	sadd.s32 $0x1, s16;
	s25 =	rddreg [dreg:$0x11]  }
0x35: {  	p1 =	sne.s32 s16, s25  }
.Ltmp1:
0x36: {  	_ = 	snop;
	(pc) =	sbr.rel @!p1 .LBB2_13-.Ltmp1, $3  }
0x37: {  	_ =	sdelay $0x1  }
0x38: {  	[sflag:s11] =	ssyncset.done @!p0 $0x0  }
0x39: {  	[sflag:s11] =	ssyncadd.s32 @!p0 $0xFFFFFB10  }
.LBB2_1:
0x3a: {  	s8 =	rddreg [dreg:$0x5]  }
0x3b: {  	[tilespmem:s5], [sflag:$0x1] =	stream.linear.gather [hbm4b:s8+s5], $0xB0, $0x38;
	[tilespmem:$0x1F7F8] =	vst v63  }
0x3c: {  	s21 =	rddreg [dreg:$0x6];
	s11 =	simm.s32 $0x200  }
0x3d: {  	[tilespmem:s11], [sflag:$0x1] =	stream.linear.gather [hbm4b:s21+s5], $0xB0, $0x38;
	[tilespmem:$0x1F7F8] =	vst v63  }
0x3e: {  	s24 =	rddreg [dreg:$0x7]  }
0x3f: {  	[tilespmem:s23], [sflag:$0x2] =	stream.linear.gather [hbm4b:s24+s5], $0xB0, $0x38;
	[tilespmem:$0x1F7F8] =	vst v63  }
0x40: {  	s25 =	rddreg [dreg:$0x9];
	s18 =	simm.s32 $0x0;
	s8 =	simm.s32 $0x200  }
0x41: {  	[tilespmem:s26], [sflag:$0x2] =	stream.linear.gather [hbm4b:s25+s5], $0xB0, $0x38;
	[tilespmem:$0x1F7F8] =	vst v63  }
.LBB2_2:
0x42: {  	p1 =	sne.s32 s8, $0x15E00;
	[tilespmem:s18+$0x670] =	vst v1  }
0x43: {  	[tilespmem:s18+$0x600] =	vst v1  }
0x44: {  	[tilespmem:s18+$0x610] =	vst v1  }
.Ltmp2:
0x45: {  	[tilespmem:s18+$0x620] =	vst v1;
	(pc) =	sbr.rel @p1 .LBB2_2-.Ltmp2, $4  }
0x46: {  	[tilespmem:s18+$0x630] =	vst v1  }
0x47: {  	[tilespmem:s18+$0x640] =	vst v1  }
0x48: {  	[tilespmem:s18+$0x650] =	vst v1  }
0x49: {  	[tilespmem:s18+$0x660] =	vst v1;
	s18 =	sshra.s32 s8, $0x2;
	s8 =	sadd.s32 $0x200, s8  }
0x4a: {  	[tilespmem:s18+$0x670] =	vst v1  }
0x4b: {  	[tilespmem:s18+$0x600] =	vst v1  }
0x4c: {  	[tilespmem:s18+$0x610] =	vst v1  }
0x4d: {  	[tilespmem:s18+$0x620] =	vst v1  }
0x4e: {  	[tilespmem:s18+$0x630] =	vst v1  }
0x4f: {  	[tilespmem:s18+$0x640] =	vst v1  }
0x50: {  	[tilespmem:s18+$0x650] =	vst v1  }
0x51: {  	[tilespmem:s18+$0x660] =	vst v1;
	s8 =	rddreg [dreg:$0x8]  }
0x52: {  	[spmem:s8] =	stream.linear.scatter [tilespmem:s28], [sflag:$0x7], $0x5800, $0x38;
	[tilespmem:$0x1F7F8] =	vst v63  }
0x53: {  	_ =	swait.ge [sflag:s29], $0x5800  }
0x54: {  	[sflag:s29] =	ssyncset.done $0x0  }
0x55: {  	s19 =	rddreg [dreg:$0xa];
	[sflag:s29] =	ssyncadd.s32 $0xFFFFA800  }
0x56: {  	[spmem:s19] =	stream.linear.scatter [tilespmem:s28], [sflag:$0x7], $0x5800, $0x38;
	[tilespmem:$0x1F7F8] =	vst v63  }
0x57: {  	_ =	swait.ge [sflag:s29], $0x5800  }
0x58: {  	[sflag:s29] =	ssyncset.done $0x0  }
0x59: {  	s20 =	rddreg [dreg:$0xb];
	[sflag:s29] =	ssyncadd.s32 $0xFFFFA800  }
0x5a: {  	[spmem:s20] =	stream.linear.scatter [tilespmem:s28], [sflag:$0x7], $0x5800, $0x38;
	[tilespmem:$0x1F7F8] =	vst v63  }
0x5b: {  	_ =	swait.ge [sflag:s29], $0x5800  }
0x5c: {  	[sflag:s29] =	ssyncset.done $0x0  }
0x5d: {  	s21 =	rddreg [dreg:$0xc];
	[sflag:s29] =	ssyncadd.s32 $0xFFFFA800  }
0x5e: {  	[spmem:s21] =	stream.linear.scatter [tilespmem:s28], [sflag:$0x7], $0x3400, $0x38;
	[tilespmem:$0x1F7F8] =	vst v63  }
0x5f: {  	_ =	swait.ge [sflag:s29], $0x3400  }
0x60: {  	[sflag:s29] =	ssyncset.done $0x0  }
0x61: {  	[sflag:s29] =	ssyncadd.s32 $0xFFFFCC00  }
0x62: {  	[tilespmem:$0x1F200] =	vst v2  }
0x63: {  	[tilespmem:$0x1F210] =	vst v2  }
0x64: {  	[tilespmem:$0x1F220] =	vst v2  }
0x65: {  	[tilespmem:$0x1F230] =	vst v2  }
0x66: {  	[tilespmem:$0x1F240] =	vst v2  }
0x67: {  	[tilespmem:$0x1F250] =	vst v2  }
0x68: {  	[tilespmem:$0x1F260] =	vst v2  }
0x69: {  	[tilespmem:$0x1F270] =	vst v2  }
0x6a: {  	[tilespmem:$0x1F280] =	vst v2  }
0x6b: {  	[tilespmem:$0x1F290] =	vst v2  }
0x6c: {  	[tilespmem:$0x1F2A0] =	vst v2  }
0x6d: {  	[tilespmem:$0x1F300] =	vst v1  }
0x6e: {  	[tilespmem:$0x1F310] =	vst v1  }
0x6f: {  	[tilespmem:$0x1F320] =	vst v1  }
0x70: {  	[tilespmem:$0x1F330] =	vst v1  }
0x71: {  	[tilespmem:$0x1F340] =	vst v1  }
0x72: {  	[tilespmem:$0x1F350] =	vst v1  }
0x73: {  	[tilespmem:$0x1F360] =	vst v1  }
0x74: {  	[tilespmem:$0x1F370] =	vst v1  }
0x75: {  	[tilespmem:$0x1F380] =	vst v1  }
0x76: {  	[tilespmem:$0x1F390] =	vst v1  }
0x77: {  	[tilespmem:$0x1F3A0] =	vst v1  }
0x78: {  	[tilespmem:$0x1F3B0] =	vst v1  }
0x79: {  	[tilespmem:$0x1F3C0] =	vst v1  }
0x7a: {  	[tilespmem:$0x1F3D0] =	vst v1  }
0x7b: {  	[tilespmem:$0x1F3E0] =	vst v1  }
0x7c: {  	[tilespmem:$0x1F3F0] =	vst v1  }
0x7d: {  	[tilespmem:$0x1F400] =	vst v1  }
0x7e: {  	[tilespmem:$0x1F410] =	vst v1  }
0x7f: {  	[tilespmem:$0x1F420] =	vst v1  }
0x80: {  	[tilespmem:$0x1F430] =	vst v1  }
0x81: {  	[tilespmem:$0x1F440] =	vst v1  }
0x82: {  	[tilespmem:$0x1F450] =	vst v1  }
0x83: {  	[tilespmem:$0x1F460] =	vst v1  }
0x84: {  	[tilespmem:$0x1F470] =	vst v1  }
0x85: {  	[tilespmem:$0x1F480] =	vst v1  }
0x86: {  	[tilespmem:$0x1F490] =	vst v1  }
0x87: {  	[tilespmem:$0x1F4A0] =	vst v1  }
0x88: {  	[tilespmem:$0x1F4B0] =	vst v1  }
0x89: {  	[tilespmem:$0x1F4C0] =	vst v1  }
0x8a: {  	[tilespmem:$0x1F4D0] =	vst v1  }
0x8b: {  	[tilespmem:$0x1F4E0] =	vst v1  }
0x8c: {  	[tilespmem:$0x1F4F0] =	vst v1  }
0x8d: {  	[tilespmem:$0x1F500] =	vst v1  }
0x8e: {  	[tilespmem:$0x1F510] =	vst v1  }
0x8f: {  	[tilespmem:$0x1F520] =	vst v1  }
0x90: {  	[tilespmem:$0x1F530] =	vst v1  }
0x91: {  	[tilespmem:$0x1F540] =	vst v1  }
0x92: {  	[tilespmem:$0x1F550] =	vst v1  }
0x93: {  	[tilespmem:$0x1F560] =	vst v1  }
0x94: {  	s11 =	simm.s32 $0x1F300;
	s24 =	rddreg [dreg:$0xd];
	[tilespmem:$0x1F570] =	vst v1  }
0x95: {  	[spmem:s24] =	stream.linear.scatter [tilespmem:s11], [sflag:$0x7], $0x278, $0x38;
	[tilespmem:$0x1F7F8] =	vst v63  }
0x96: {  	_ =	swait.ge [sflag:s29], $0x278  }
0x97: {  	[sflag:s29] =	ssyncset.done $0x0  }
0x98: {  	[sflag:s29] =	ssyncadd.s32 $0xFFFFFD88  }
0x99: {  	[bflag:$0x0] =	sbarrier.arrive $0xFFFF  }
0x9a: {  	_ =	swait.ge [sflag:s31], $0xB0  }
0x9b: {  	[sflag:s31] =	ssyncset.done $0x0  }
0x9c: {  	[sflag:s31] =	ssyncadd.s32 $0xFFFFFF50  }
0x9d: {  	_ =	swait.ge [sflag:s31], $0xB0  }
0x9e: {  	[sflag:s31] =	ssyncset.done $0x0  }
0x9f: {  	s25 =	simm.s32 $0x200;
	[sflag:s31] =	ssyncadd.s32 $0xFFFFFF50  }
0xa0: {  	v4 =	vld [tilespmem:s25+$0x0];
	_ =	sdelay $0x3  }
0xa1: {  	p1 =	por $0x1, $0x1  }
0xa2: {  	s18 =	simm.s32 $0x400;
	v4 =	vpsel p1, v4, v3  }
0xa3: {  	s8 =	simm.s32 $0x210;
	[tilespmem:s18+$0x0] =	vst v4  }
0xa4: {  	s19 =	simm.s32 $0x20;
	s11 =	simm.s32 $0x10;
	v4 =	vld [tilespmem:s8+$0x0]  }
.LBB2_4:
0xa5: {  	p1 =	sne.s32 s19, $0xA0;
	_ =	sdelay $0x1  }
.Ltmp3:
0xa6: {  	(pc) =	sbr.rel @p1 .LBB2_4-.Ltmp3, $4  }
0xa7: {  	p2 =	slt.u32 s11, $0x2710;
	s11 =	smov.u32 s19  }
0xa8: {  	s18 =	sadd.s32 $0x10, s18;
	v4 =	vpsel p2, v4, v3  }
0xa9: {  	s8 =	sadd.s32 $0x10, s8;
	[tilespmem:s18+$0x0] =	vst v4  }
0xaa: {  	s19 =	sadd.s32 $0x10, s19;
	v4 =	vld [tilespmem:s8+$0x0]  }
0xab: {  	_ =	sdelay $0x2  }
0xac: {  	p1 =	slt.u32 s11, $0x2710  }
0xad: {  	s8 =	sadd.s32 $0x10, s18;
	v4 =	vpsel p1, v4, v3  }
0xae: {  	s18 =	simm.s32 $0x0;
	s19 =	simm.s32 $0x0;
	[tilespmem:s8+$0x0] =	vst v4  }
0xaf: {  	[tilespmem:s28], [sflag:$0x3] =	stream.indirect.gather [hbm4b:s1+s0], $0x80, s18, s0, $0xb8;
	[tilespmem:$0x1F7F8] =	vst v63  }
.LBB2_6:
0xb0: {  	_ =	swait.ge [sflag:s22], $0xB0  }
0xb1: {  	[sflag:s22] =	ssyncset.done $0x0  }
0xb2: {  	[sflag:s22] =	ssyncadd.s32 $0xFFFFFF50  }
0xb3: {  	_ =	swait.ge [sflag:s22], $0xB0  }
0xb4: {  	p1 =	seq.s32 s19, $0x0;
	[sflag:s22] =	ssyncset.done $0x0  }
0xb5: {  	s20 =	smul.u32 $0x160, s19;
	s8 =	simm.s32 @!p1 $0x6;
	[sflag:s22] =	ssyncadd.s32 $0xFFFFFF50  }
0xb6: {  	_ =	swait.ge @!p1 [sflag:s8], $0x5800  }
0xb7: {  	s11 =	sadd.s32 $0xB0, s20;
	[sflag:s8] =	ssyncset.done @!p1 $0x0  }
0xb8: {  	s21 =	sadd.s32 s6, s11;
	[sflag:s8] =	ssyncadd.s32 @!p1 $0xFFFFA800  }
0xb9: {  	p2 =	slt.s32 s21, $0x4E150;
	s24 =	smov.u32 s21;
	_ =	swait.ge @!p1 [sflag:s8], $0xB0  }
0xba: {  	s24 =	simm.s32 @!p2 $0x4E150;
	[sflag:s8] =	ssyncset.done @!p1 $0x0  }
0xbb: {  	s25 =	simm.s32 $0x300;
	s24 =	ssub.s32 s21, s24;
	[sflag:s8] =	ssyncadd.s32 @!p1 $0xFFFFFF50  }
0xbc: {  	s11 =	ssub.s32 s11, s24;
	v6 =	vld [tilespmem:s25+$0x0]  }
0xbd: {  	v7 =	vor.u32 s18, v0;
	v4 =	vmov s11  }
0xbe: {  	v5 =	vmov s24;
	v8 =	vadd.s32 v4, v7  }
0xbf: {  	vm0 =	vge.u32 v7, v5;
	vm1 =	vlt.s32 v8, $0x2710  }
0xc0: {  	vm0 =	vmand vm0, vm1  }
0xc1: {  	s24 =	simm.s32 $0x500;
	v6 =	vsel vm0, v6, v3  }
0xc2: {  	s25 =	simm.s32 $0x310;
	[tilespmem:s24+$0x0] =	vst v6  }
0xc3: {  	s21 =	sshll.u32 s19, $0x1;
	s11 =	simm.s32 $0x20;
	s8 =	simm.s32 $0x10;
	v6 =	vld [tilespmem:s25+$0x0]  }
.LBB2_7:
0xc4: {  	p1 =	sne.s32 s11, $0xA0;
	v7 =	vor.u32 s8, v0;
	s8 =	smov.u32 s11  }
0xc5: {  	v8 =	vadd.s32 v4, v7  }
.Ltmp4:
0xc6: {  	vm0 =	vge.u32 v7, v5;
	vm1 =	vlt.s32 v8, $0x2710;
	(pc) =	sbr.rel @p1 .LBB2_7-.Ltmp4, $4  }
0xc7: {  	vm0 =	vmand vm0, vm1  }
0xc8: {  	s24 =	sadd.s32 $0x10, s24;
	v6 =	vsel vm0, v6, v3  }
0xc9: {  	s25 =	sadd.s32 $0x10, s25;
	[tilespmem:s24+$0x0] =	vst v6  }
0xca: {  	s11 =	sadd.s32 $0x10, s11;
	v6 =	vld [tilespmem:s25+$0x0]  }
0xcb: {  	v7 =	vor.u32 s8, v0  }
0xcc: {  	s21 =	sadd.s32 $0x2, s21;
	p1 =	seq.s32 s19, $0x1C;
	v4 =	vadd.s32 v4, v7  }
0xcd: {  	vm0 =	vge.u32 v7, v5;
	s8 =	smul.u32 @!p1 $0xB0, s21;
	vm1 =	vlt.s32 v4, $0x2710  }
0xce: {  	vm0 =	vmand vm0, vm1  }
0xcf: {  	s25 =	sadd.s32 $0x10, s24;
	s8 =	sadd.s32 @!p1 s6, s8;
	v4 =	vsel vm0, v6, v3  }
0xd0: {  	p2 =	slt.s32 @!p1 s8, $0x4E150;
	[tilespmem:s25+$0x0] =	vst v4  }
0xd1: {  	p2 =	por !p2, p1;
	_ =	swait.ge [sflag:s30], $0x5800  }
0xd2: {  	s8 =	simm.s32 @p2 $0x4E150;
	[sflag:s30] =	ssyncset.done $0x0  }
0xd3: {  	s8 =	sshrl.u32 @!p1 s8, $0x3;
	[sflag:s30] =	ssyncadd.s32 $0xFFFFA800  }
0xd4: {  	[tilespmem:s4], [sflag:$0x4] =	stream.indirect.gather [hbm4b:s1+s0], $0x80, s23, s0, $0xb8;
	[tilespmem:$0x1F7F8] =	vst v63  }
0xd5: {  	s11 =	simm.s32 @!p1 $0x0;
	s8 =	sadd.s32 @!p1 s7, s8  }
0xd6: {  	[tilespmem:s11], [sflag:$0x1] =	stream.linear.gather @!p1 [hbm4b:s8+s11], $0xB0, $0x38;
	[tilespmem:$0x1F7F8] =	vst v63  }
0xd7: {  	s24 =	simm.s32 @!p1 $0x200;
	s8 =	sadd.s32 @!p1 $0x9C40, s8  }
0xd8: {  	[tilespmem:s24], [sflag:$0x1] =	stream.linear.gather @!p1 [hbm4b:s8+s11], $0xB0, $0x38;
	[tilespmem:$0x1F7F8] =	vst v63  }
0xd9: {  	_ = 	snop  }
0xda: {  	[spmem:s2] =	stream.indirect.scatter.add.f32 [tilespmem:s28], [sflag:$0x5], $0x80, s9, s0, $0xb8;
	[tilespmem:$0x1F7F8] =	vst v63  }
0xdb: {  	_ = 	snop  }
0xdc: {  	[spmem:s3] =	stream.indirect.scatter.add.f32 [tilespmem:s10], [sflag:$0x5], $0x1, s9, s0, $0xb8;
	[tilespmem:$0x1F7F8] =	vst v63  }
0xdd: {  	_ =	swait.ge [sflag:s12], $0x5800  }
0xde: {  	[sflag:s12] =	ssyncset.done $0x0  }
0xdf: {  	[sflag:s12] =	ssyncadd.s32 $0xFFFFA800  }
0xe0: {  	[spmem:s2] =	stream.indirect.scatter.add.f32 [tilespmem:s4], [sflag:$0x6], $0x80, s13, s0, $0xb8;
	[tilespmem:$0x1F7F8] =	vst v63  }
0xe1: {  	_ = 	snop  }
0xe2: {  	[spmem:s3] =	stream.indirect.scatter.add.f32 [tilespmem:s10], [sflag:$0x6], $0x1, s13, s0, $0xb8;
	[tilespmem:$0x1F7F8] =	vst v63  }
0xe3: {  	_ =	swait.ge [sflag:s14], $0x5800  }
.Ltmp5:
0xe4: {  	[sflag:s14] =	ssyncset.done $0x0;
	(pc) =	sbr.rel @p1 .LBB2_12-.Ltmp5, $4  }
0xe5: {  	[sflag:s14] =	ssyncadd.s32 $0xFFFFA800  }
0xe6: {  	_ =	swait.ge [sflag:s14], $0xB0  }
0xe7: {  	[sflag:s14] =	ssyncset.done $0x0  }
0xe8: {  	[sflag:s14] =	ssyncadd.s32 $0xFFFFFF50  }
0xe9: {  	s8 =	smul.u32 $0xB0, s21;
	_ =	swait.ge [sflag:s31], $0xB0  }
0xea: {  	[sflag:s31] =	ssyncset.done $0x0  }
0xeb: {  	s11 =	sadd.s32 s6, s8;
	[sflag:s31] =	ssyncadd.s32 $0xFFFFFF50  }
0xec: {  	p1 =	slt.s32 s11, $0x4E150;
	s21 =	smov.u32 s11;
	_ =	swait.ge [sflag:s31], $0xB0  }
0xed: {  	s21 =	simm.s32 @!p1 $0x4E150;
	[sflag:s31] =	ssyncset.done $0x0  }
0xee: {  	s25 =	simm.s32 $0x200;
	[sflag:s31] =	ssyncadd.s32 $0xFFFFFF50;
	s11 =	ssub.s32 s11, s21  }
0xef: {  	s24 =	simm.s32 $0x0;
	s8 =	ssub.s32 s8, s11;
	v6 =	vld [tilespmem:s25+$0x0]  }
0xf0: {  	v7 =	vor.u32 s24, v0;
	v4 =	vmov s8  }
0xf1: {  	v5 =	vmov s11;
	v8 =	vadd.s32 v4, v7  }
0xf2: {  	vm0 =	vge.u32 v7, v5;
	vm1 =	vlt.s32 v8, $0x2710  }
0xf3: {  	vm0 =	vmand vm0, vm1  }
0xf4: {  	s21 =	simm.s32 $0x400;
	v6 =	vsel vm0, v6, v3  }
0xf5: {  	s24 =	simm.s32 $0x210;
	[tilespmem:s21+$0x0] =	vst v6  }
0xf6: {  	s11 =	simm.s32 $0x20;
	s8 =	simm.s32 $0x10;
	v6 =	vld [tilespmem:s24+$0x0]  }
.LBB2_10:
0xf7: {  	p1 =	sne.s32 s11, $0xA0;
	v7 =	vor.u32 s8, v0;
	s8 =	smov.u32 s11  }
0xf8: {  	v8 =	vadd.s32 v4, v7  }
.Ltmp6:
0xf9: {  	vm0 =	vge.u32 v7, v5;
	vm1 =	vlt.s32 v8, $0x2710;
	(pc) =	sbr.rel @p1 .LBB2_10-.Ltmp6, $4  }
0xfa: {  	vm0 =	vmand vm0, vm1  }
0xfb: {  	s21 =	sadd.s32 $0x10, s21;
	v6 =	vsel vm0, v6, v3  }
0xfc: {  	s24 =	sadd.s32 $0x10, s24;
	[tilespmem:s21+$0x0] =	vst v6  }
0xfd: {  	s11 =	sadd.s32 $0x10, s11;
	v6 =	vld [tilespmem:s24+$0x0]  }
0xfe: {  	v7 =	vor.u32 s8, v0  }
0xff: {  	v4 =	vadd.s32 v4, v7  }
0x100: {  	vm0 =	vge.u32 v7, v5;
	vm1 =	vlt.s32 v4, $0x2710  }
0x101: {  	s8 =	sadd.s32 s20, s17;
	vm0 =	vmand vm0, vm1  }
0x102: {  	s25 =	sadd.s32 $0x10, s21;
	p1 =	slt.s32 s8, $0x4E150;
	v4 =	vsel vm0, v6, v3  }
0x103: {  	s8 =	simm.s32 @!p1 $0x4E150;
	[tilespmem:s25+$0x0] =	vst v4  }
0x104: {  	[tilespmem:s28], [sflag:$0x3] =	stream.indirect.gather [hbm4b:s1+s0], $0x80, s5, s0, $0xb8;
	[tilespmem:$0x1F7F8] =	vst v63  }
.Ltmp7:
0x105: {  	s8 =	sshrl.u32 s8, $0x3;
	(pc) =	sbr.rel .LBB2_6-.Ltmp7, $4  }
0x106: {  	s8 =	sadd.s32 s7, s8  }
0x107: {  	[tilespmem:s23], [sflag:$0x2] =	stream.linear.gather [hbm4b:s8+s5], $0xB0, $0x38;
	[tilespmem:$0x1F7F8] =	vst v63  }
0x108: {  	s19 =	sadd.s32 $0x1, s19;
	s8 =	sadd.s32 $0x9C40, s8  }
0x109: {  	[tilespmem:s26], [sflag:$0x2] =	stream.linear.gather [hbm4b:s8+s5], $0xB0, $0x38;
	[tilespmem:$0x1F7F8] =	vst v63  }
.LBB2_13:
0x10a: {  	_ =	sfence.sel $0x180000  }
0x10b: {  	[bflag:$0x0] =	sbarrier.arrive $0xFFFF  }
0x10c: {  	_ =	strace $0x90000047  }
0x10d: {  	[bflag:$0x2] =	sbarrier.arrive $0xFFFF  }
0x10e: {  	s0 =	rddreg [dreg:$0x4]  }
0x10f: {  	s0 =	sadd.s32 @!p0 $0x100000, s0  }
0x110: {  	[sflag:s0] =	ssyncadd.tile.s32 @!p0 $0x1;
	_ =	shalt  }
.Lfunc_end2:
_tile_overlayer_lowered:
.L_overlay_start_2:
0x111: {  	(tag) =	ssettag $0x2  }
0x112: {  	s0 =	rddreg [dreg:$0x0];
	s2 =	stileid.u32  }
0x113: {  	s1 =	rddreg [dreg:$0x1];
	p0 =	sne.s32 s2, $0x0  }
0x114: {  	s3 =	rddreg [dreg:$0x2];
	[bflag:$0x3] =	sbarrier.arrive $0xFFFF;
	s2 =	simm.s32 @!p0 $0x1C07  }
0x115: {  	[timem:s3], [sflag:s2] =	dma.local @!p0 [hbm:s0], s1  }
0x116: {  	s0 =	simm.s32 @!p0 $0x7  }
0x117: {  	_ =	swait.ge @!p0 [sflag:s0], s1  }
0x118: {  	s1 =	ssub.s32 @!p0 $0x0, s1;
	[sflag:s0] =	ssyncset.done @!p0 $0x0  }
0x119: {  	[sflag:s0] =	ssyncadd.s32 @!p0 s1  }
0x11a: {  	[bflag:$0x3] =	sbarrier.arrive $0xFFFF  }
0x11b: {  	_ =	shalt  }

</sc_bundles>
